<compile_context>
chip_gen: v7x
topology: tpu7x:2x2x1
jax: 0.10.2.dev20260603
libtpu: 0.0.44.dev20260713+nightly
codegen_flags: <defaults>
</compile_context>

<pallas_src>
import functools
import numpy as np
import jax
import jax.numpy as jnp
from jax import lax
from jax.experimental import pallas as pl
from jax.experimental.pallas import tpu as pltpu
from jax.experimental.pallas import tpu_sc as plsc

H = 16
OMEGA = 30.0
BE = 3200
CH = 128
NC = 2
NS = 16


def _mesh():
    return plsc.VectorSubcoreMesh(core_axis_name="c", subcore_axis_name="s")


_SC_PARAMS = pltpu.CompilerParams(needs_layout_passes=False,
                                  use_tc_tiling_on_sc=False)



def _sc_gather(u_emb, i_emb, u_t, i_t, uidx, iidx, et):
    E = et.shape[0]
    N_u = u_t.shape[0]
    N_i = i_t.shape[0]
    nch = E // CH
    nw = NC * NS
    kmax = (nch + nw - 1) // nw
    f32 = jnp.float32

    @functools.partial(
        pl.kernel,
        out_type=[
            jax.ShapeDtypeStruct((nch, CH, H), f32),
            jax.ShapeDtypeStruct((nch, CH, H), f32),
            jax.ShapeDtypeStruct((E,), f32),
            jax.ShapeDtypeStruct((E,), f32),
        ],
        mesh=_mesh(),
        scratch_types=[
            pltpu.VMEM((N_u,), f32),
            pltpu.VMEM((N_i,), f32),
            pltpu.VMEM((CH,), jnp.int32),
            pltpu.VMEM((CH,), jnp.int32),
            pltpu.VMEM((CH, H), f32),
            pltpu.VMEM((CH, H), f32),
            pltpu.VMEM((CH,), f32),
            pltpu.VMEM((CH,), f32),
            pltpu.VMEM((CH,), f32),
            pltpu.SemaphoreType.DMA,
            pltpu.SemaphoreType.DMA,
        ],
        compiler_params=_SC_PARAMS,
    )
    def k(u_emb_h, i_emb_h, u_t_h, i_t_h, uidx_h, iidx_h, et_h,
          ue_c_h, ie_c_h, rl_u_h, rl_i_h,
          ut_tab, it_tab, idx_u, idx_i, rows_u, rows_i, et_v, ru_v, ri_v,
          sem_u, sem_i):
        wid = lax.axis_index("s") * NC + lax.axis_index("c")
        pltpu.sync_copy(u_t_h, ut_tab)
        pltpu.sync_copy(i_t_h, it_tab)

        def chunk(kk, carry):
            c = kk * nw + wid

            @pl.when(c < nch)
            def _():
                sl = pl.ds(c * CH, CH)
                c1 = pltpu.async_copy(uidx_h.at[sl], idx_u, sem_u)
                c2 = pltpu.async_copy(iidx_h.at[sl], idx_i, sem_u)
                c3 = pltpu.async_copy(et_h.at[sl], et_v, sem_u)
                c1.wait()
                c2.wait()
                c3.wait()
                cp_u = pltpu.async_copy(u_emb_h.at[idx_u], rows_u, sem_u)
                cp_i = pltpu.async_copy(i_emb_h.at[idx_i], rows_i, sem_i)
                for v in range(CH // 16):
                    vs = pl.ds(16 * v, 16)
                    ev = et_v[vs]
                    ru_v[vs] = plsc.load_gather(ut_tab, [idx_u[vs]]) - ev
                    ri_v[vs] = plsc.load_gather(it_tab, [idx_i[vs]]) - ev
                cp_u.wait()
                cp_i.wait()
                o1 = pltpu.async_copy(rows_u, ue_c_h.at[c], sem_u)
                o2 = pltpu.async_copy(rows_i, ie_c_h.at[c], sem_u)
                o3 = pltpu.async_copy(ru_v, rl_u_h.at[sl], sem_i)
                o4 = pltpu.async_copy(ri_v, rl_i_h.at[sl], sem_i)
                o1.wait()
                o2.wait()
                o3.wait()
                o4.wait()

            return carry

        lax.fori_loop(0, kmax, chunk, 0)

    return k(u_emb, i_emb, u_t, i_t, uidx, iidx, et)



def _fast_sin2(z):
    u = z - jnp.round(z)
    u2 = u * u
    c1 = jnp.float32(6.2830887)
    c3 = jnp.float32(-41.333252)
    c5 = jnp.float32(81.40014)
    c7 = jnp.float32(-74.67622)
    c9 = jnp.float32(33.16881)
    return u * (c1 + u2 * (c3 + u2 * (c5 + u2 * (c7 + u2 * c9))))


def _dense_body(rlu_ref, rli_ref, ue_ref, ie_ref,
                wu1_ref, wu2_ref, wu3_ref, wi1_ref, wi2_ref, wi3_ref,
                tb_ref, sb_ref, out_ref):
    f32 = jnp.float32
    bf16 = jnp.bfloat16
    tb = tb_ref[...]
    sb = sb_ref[...]

    def side(rel16, w1t, w2b, w3b, emb):
        x = _fast_sin2(rel16 * w1t)
        x = _fast_sin2(jnp.dot(x, w2b, preferred_element_type=f32))
        y = jnp.dot(x.astype(bf16), w3b, preferred_element_type=f32).astype(bf16)
        rep = jnp.dot(emb.astype(bf16), tb, preferred_element_type=f32).astype(bf16)
        return jnp.dot(y * rep, sb, preferred_element_type=f32)

    out_ref[0, :, :] = side(rli_ref[...], wi1_ref[...], wi2_ref[...],
                            wi3_ref[...], ie_ref[...])
    out_ref[1, :, :] = side(rlu_ref[...], wu1_ref[...], wu2_ref[...],
                            wu3_ref[...], ue_ref[...])


def _tc_dense(rl_u, rl_i, ue_p, ie_p, Wu1, Wu2, Wu3, Wi1, Wi2, Wi3):
    R = rl_u.shape[0]
    rb = BE // 8
    nb = R // rb
    f32 = jnp.float32
    bf16 = jnp.bfloat16
    q = jnp.float32(OMEGA / (2.0 * np.pi))
    eye8 = np.eye(8, dtype=np.float32)

    def w1tile(w1):
        return jnp.tile((w1 * q).reshape(H), 8).reshape(1, 8 * H)

    def blockdiag(w):
        return jnp.kron(jnp.asarray(eye8), w)

    W2Bu = blockdiag(Wu2 * q)
    W2Bi = blockdiag(Wi2 * q)
    W3Bu = blockdiag(Wu3).astype(bf16)
    W3Bi = blockdiag(Wi3).astype(bf16)
    T16 = np.tile(np.eye(H, dtype=np.float32), (1, H))
    TB = jnp.asarray(np.kron(eye8, T16)).astype(bf16)
    S256 = np.kron(np.eye(H, dtype=np.float32), np.ones((H, 1), np.float32))
    SB = jnp.asarray(np.kron(eye8, S256)).astype(bf16)

    def full(shape):
        return pl.BlockSpec(shape, lambda b: (0,) * len(shape))

    call = pl.pallas_call(
        _dense_body,
        grid=(nb,),
        in_specs=[
            pl.BlockSpec((rb, 8 * H), lambda b: (b, 0)),
            pl.BlockSpec((rb, 8 * H), lambda b: (b, 0)),
            pl.BlockSpec((rb, 8 * H), lambda b: (b, 0)),
            pl.BlockSpec((rb, 8 * H), lambda b: (b, 0)),
            full((1, 8 * H)), full((8 * H, 8 * H)), full((8 * H, 8 * H * H)),
            full((1, 8 * H)), full((8 * H, 8 * H)), full((8 * H, 8 * H * H)),
            full((8 * H, 8 * H * H)), full((8 * H * H, 8 * H)),
        ],
        out_specs=pl.BlockSpec((2, rb, 8 * H), lambda b: (0, b, 0)),
        out_shape=jax.ShapeDtypeStruct((2, R, 8 * H), f32),
    )
    return call(rl_u, rl_i, ue_p, ie_p,
                w1tile(Wu1), W2Bu, W3Bu,
                w1tile(Wi1), W2Bi, W3Bi, TB, SB)



def _sc_scatter(msgs, idxs, N):
    E = idxs.shape[1]
    nch = E // CH
    kmax = (nch + NS - 1) // NS
    rows = N // NS
    f32 = jnp.float32

    @functools.partial(
        pl.kernel,
        out_type=jax.ShapeDtypeStruct((2, N, H), f32),
        mesh=_mesh(),
        scratch_types=[
            pltpu.VMEM((CH, H), f32),
            pltpu.VMEM((CH,), jnp.int32),
            pltpu.VMEM((rows, H), f32),
            pltpu.VMEM_SHARED((N, H), f32),
            pltpu.SemaphoreType.DMA,
        ],
        compiler_params=_SC_PARAMS,
    )
    def k(msgs_h, idxs_h, out_h, msg_v, idx_v, slice_v, acc, sem):
        cid = lax.axis_index("c")
        sid = lax.axis_index("s")

        def zrow(j, carry):
            slice_v[j, :] = jnp.zeros((H,), f32)
            return carry

        lax.fori_loop(0, rows, zrow, 0)
        pltpu.sync_copy(slice_v, acc.at[pl.ds(sid * rows, rows)])
        plsc.subcore_barrier()

        def chunk(kk, carry):
            c = kk * NS + sid

            @pl.when(c < nch)
            def _():
                c1 = pltpu.async_copy(idxs_h.at[cid, pl.ds(c * CH, CH)], idx_v, sem)
                c2 = pltpu.async_copy(msgs_h.at[cid, c], msg_v, sem)
                c1.wait()
                c2.wait()
                pltpu.sync_copy(msg_v, acc.at[idx_v], add=True)

            return carry

        lax.fori_loop(0, kmax, chunk, 0)
        plsc.subcore_barrier()

        osl = pl.ds(sid * rows, rows)
        pltpu.sync_copy(acc.at[osl], slice_v)
        pltpu.sync_copy(slice_v, out_h.at[cid, osl])

    return k(msgs, idxs)


def kernel(u_embedded, i_embedded, user_per_trans, item_per_trans, edges_t,
           u_t, i_t, Wu1, Wu2, Wu3, Wi1, Wi2, Wi3):
    E = edges_t.shape[0]
    N = u_embedded.shape[0]
    uidx = user_per_trans.astype(jnp.int32)
    iidx = item_per_trans.astype(jnp.int32)
    ue_c, ie_c, rl_u, rl_i = _sc_gather(
        u_embedded, i_embedded, u_t, i_t, uidx, iidx, edges_t)
    R = E // 8
    rl_u16 = jnp.repeat(rl_u.reshape(R, 8), H, axis=1)
    rl_i16 = jnp.repeat(rl_i.reshape(R, 8), H, axis=1)
    msgs = _tc_dense(rl_u16, rl_i16,
                     ue_c.reshape(R, 8 * H), ie_c.reshape(R, 8 * H),
                     Wu1, Wu2, Wu3, Wi1, Wi2, Wi3)
    msgs4 = msgs.reshape(2, E // CH, CH, H)
    idxs = jnp.stack([uidx, iidx])
    out = _sc_scatter(msgs4, idxs, N)
    return (out[0], out[1])

# --- scband reference (transcript-rebuilt; emitter-appended) ---
"""Pipeline reference for scband-ckconv-10694468567662 (READ-ONLY COPY).

The authoritative reference and input builder live on the scoring server;
editing this copy changes nothing except your own understanding.
"""

import jax, jax.numpy as jnp
import numpy as np

H = 16
OMEGA = 30.0


def _siren_params(k):
    k1, k2, k3 = jax.random.split(k, 3)
    # SIREN init: first layer U(-1/in, 1/in) with in=1, hidden/out layers U(-sqrt(6/fan_in)/omega, +)
    W1 = jax.random.uniform(k1, (1, H), jnp.float32, -1.0, 1.0)
    c = float(np.sqrt(6.0 / H) / OMEGA)
    W2 = jax.random.uniform(k2, (H, H), jnp.float32, -c, c)
    W3 = jax.random.uniform(k3, (H, H * H), jnp.float32, -c, c)
    return W1, W2, W3


def _siren(t, W1, W2, W3):
    # t: [E] -> [E, H*H]; sine-activated MLP (no bias), linear output layer
    x = jnp.sin(OMEGA * (t[:, None] @ W1))
    x = jnp.sin(OMEGA * (x @ W2))
    return x @ W3


def setup_inputs(seed: int = 0) -> dict:
    key = jax.random.key(seed)
    ks = jax.random.split(key, 9)
    N_u, N_i, E = 10000, 10000, 160000
    u_embedded = jax.random.normal(ks[0], (N_u, H), jnp.float32)
    i_embedded = jax.random.normal(ks[1], (N_i, H), jnp.float32)
    user_per_trans = jax.random.randint(ks[2], (E,), 0, N_u, dtype=jnp.int64) if jax.config.jax_enable_x64 else jax.random.randint(ks[2], (E,), 0, N_u).astype(jnp.int32)
    item_per_trans = jax.random.randint(ks[3], (E,), 0, N_i, dtype=jnp.int64) if jax.config.jax_enable_x64 else jax.random.randint(ks[3], (E,), 0, N_i).astype(jnp.int32)
    edges_t = jax.random.uniform(ks[4], (E,), jnp.float32)
    u_t = jax.random.uniform(ks[5], (N_u,), jnp.float32)
    i_t = jax.random.uniform(ks[6], (N_i,), jnp.float32)
    Wu1, Wu2, Wu3 = _siren_params(ks[7])
    Wi1, Wi2, Wi3 = _siren_params(ks[8])
    return {
        "u_embedded": u_embedded,
        "i_embedded": i_embedded,
        "user_per_trans": user_per_trans,
        "item_per_trans": item_per_trans,
        "edges_t": edges_t,
        "u_t": u_t,
        "i_t": i_t,
        "Wu1": Wu1, "Wu2": Wu2, "Wu3": Wu3,
        "Wi1": Wi1, "Wi2": Wi2, "Wi3": Wi3,
    }


def reference(u_embedded, i_embedded, user_per_trans, item_per_trans, edges_t, u_t, i_t, Wu1, Wu2, Wu3, Wi1, Wi2, Wi3):
    E = edges_t.shape[0]
    relative_u = u_t[user_per_trans] - edges_t
    relative_i = i_t[item_per_trans] - edges_t
    user_kernels = _siren(relative_u, Wu1, Wu2, Wu3).reshape(E, H, H)
    item_kernels = _siren(relative_i, Wi1, Wi2, Wi3).reshape(E, H, H)
    item_messages = jnp.squeeze(item_kernels @ i_embedded[item_per_trans][:, :, None], -1)
    hLu = jnp.zeros_like(u_embedded).at[user_per_trans].add(item_messages)
    user_messages = jnp.squeeze(user_kernels @ u_embedded[user_per_trans][:, :, None], -1)
    hLi = jnp.zeros_like(i_embedded).at[item_per_trans].add(user_messages)
    return (hLu, hLi)

if __name__ == "__main__":
    import jax
    _d = setup_inputs()
    print(jax.jit(kernel)(*tuple(_d.values())))

</pallas_src>

<mosaic_0001>
#map = affine_map<(d0, d1) -> (0, 0)>
#map1 = affine_map<(d0, d1) -> (0)>
#map2 = affine_map<(d0, d1) -> (0, 0, 0)>
module attributes {stable_mosaic.version = 14 : i64} {
  func.func @k(%arg0: i32, %arg1: i32, %arg2: memref<10000x16xf32, #tpu.memory_space<hbm>>, %arg3: memref<10000x16xf32, #tpu.memory_space<hbm>>, %arg4: memref<10000xf32, #tpu.memory_space<hbm>>, %arg5: memref<10000xf32, #tpu.memory_space<hbm>>, %arg6: memref<160000xi32, #tpu.memory_space<hbm>>, %arg7: memref<160000xi32, #tpu.memory_space<hbm>>, %arg8: memref<160000xf32, #tpu.memory_space<hbm>>, %arg9: memref<1250x128x16xf32, #tpu.memory_space<hbm>>, %arg10: memref<1250x128x16xf32, #tpu.memory_space<hbm>>, %arg11: memref<160000xf32, #tpu.memory_space<hbm>>, %arg12: memref<160000xf32, #tpu.memory_space<hbm>>, %arg13: memref<10000xf32, #tpu.memory_space<vmem>>, %arg14: memref<10000xf32, #tpu.memory_space<vmem>>, %arg15: memref<128xi32, #tpu.memory_space<vmem>>, %arg16: memref<128xi32, #tpu.memory_space<vmem>>, %arg17: memref<128x16xf32, #tpu.memory_space<vmem>>, %arg18: memref<128x16xf32, #tpu.memory_space<vmem>>, %arg19: memref<128xf32, #tpu.memory_space<vmem>>, %arg20: memref<128xf32, #tpu.memory_space<vmem>>, %arg21: memref<128xf32, #tpu.memory_space<vmem>>, %arg22: memref<!tpu.dma_semaphore, #tpu.memory_space<semaphore_mem>>, %arg23: memref<!tpu.dma_semaphore, #tpu.memory_space<semaphore_mem>>) attributes {dimension_semantics = [#tpu.dimension_semantics<core_parallel>, #tpu.dimension_semantics<subcore_parallel>], iteration_bounds = array<i64: 2, 16>, scalar_prefetch = 0 : i64, scratch_operands = 11 : i64, tpu.core_type = #tpu.core_type<sc_vector_subcore>, window_params = [{transform_indices = #map}, {transform_indices = #map}, {transform_indices = #map1}, {transform_indices = #map1}, {transform_indices = #map1}, {transform_indices = #map1}, {transform_indices = #map1}, {transform_indices = #map2}, {transform_indices = #map2}, {transform_indices = #map1}, {transform_indices = #map1}]} {
    %mul3A = arith.constant 2 : i32
    %mul3A_0 = arith.muli %arg1, %mul3A : i32
    %add3A = arith.addi %mul3A_0, %arg0 : i32
    "tpu.region"() ({
      %run_scoped3A = tpu.sem_alloc : memref<!tpu.dma_semaphore, #tpu.memory_space<semaphore_mem>>
      tpu.enqueue_dma source(%arg4 : memref<10000xf32, #tpu.memory_space<hbm>>) target(%arg13 : memref<10000xf32, #tpu.memory_space<vmem>>) target_semaphore(%run_scoped3A : memref<!tpu.dma_semaphore, #tpu.memory_space<semaphore_mem>>)
      tpu.wait_dma2 semaphore(%run_scoped3A : memref<!tpu.dma_semaphore, #tpu.memory_space<semaphore_mem>>) src(%arg4 : memref<10000xf32, #tpu.memory_space<hbm>>) dst(%arg13 : memref<10000xf32, #tpu.memory_space<vmem>>)
      tpu.yield
    }) : () -> ()
    "tpu.region"() ({
      %run_scoped3A = tpu.sem_alloc : memref<!tpu.dma_semaphore, #tpu.memory_space<semaphore_mem>>
      tpu.enqueue_dma source(%arg5 : memref<10000xf32, #tpu.memory_space<hbm>>) target(%arg14 : memref<10000xf32, #tpu.memory_space<vmem>>) target_semaphore(%run_scoped3A : memref<!tpu.dma_semaphore, #tpu.memory_space<semaphore_mem>>)
      tpu.wait_dma2 semaphore(%run_scoped3A : memref<!tpu.dma_semaphore, #tpu.memory_space<semaphore_mem>>) src(%arg5 : memref<10000xf32, #tpu.memory_space<hbm>>) dst(%arg14 : memref<10000xf32, #tpu.memory_space<vmem>>)
      tpu.yield
    }) : () -> ()
    %scan3A = arith.constant 0 : i32
    %scan3A_1 = arith.constant 0 : i32
    %scan3A_2 = arith.constant 40 : i32
    %scan3A_3 = arith.addi %scan3A_1, %scan3A_2 : i32
    %scan3A_4 = arith.constant 1 : i32
    scf.for %scan3A_6 = %scan3A_1 to %scan3A_3 step %scan3A_4  : i32 {
      %mul3A_7 = arith.constant 32 : i32
      %mul3A_8 = arith.muli %scan3A_6, %mul3A_7 : i32
      %add3A_9 = arith.addi %mul3A_8, %add3A : i32
      %lt3A = arith.constant 1250 : i32
      %lt3A_10 = arith.cmpi slt, %add3A_9, %lt3A : i32
      %convert_element_type3A = arith.extui %lt3A_10 : i1 to i32
      %cond3A = arith.constant 0 : i32
      %cond3A_11 = arith.cmpi ne, %convert_element_type3A, %cond3A : i32
      scf.if %cond3A_11 {
        %mul3A_12 = arith.constant 128 : i32
        %mul3A_13 = arith.muli %add3A_9, %mul3A_12 : i32
        %dma_start3A = tpu.memref_slice %arg6[%mul3A_13] : memref<160000xi32, #tpu.memory_space<hbm>> -> memref<128xi32, #tpu.memory_space<hbm>>
        %dma_start3A_14 = tpu.memref_slice %arg6[%mul3A_13] : memref<160000xi32, #tpu.memory_space<hbm>> -> memref<128xi32, #tpu.memory_space<hbm>>
        tpu.enqueue_dma source(%dma_start3A_14 : memref<128xi32, #tpu.memory_space<hbm>>) target(%arg15 : memref<128xi32, #tpu.memory_space<vmem>>) target_semaphore(%arg22 : memref<!tpu.dma_semaphore, #tpu.memory_space<semaphore_mem>>)
        %dma_start3A_15 = tpu.memref_slice %arg7[%mul3A_13] : memref<160000xi32, #tpu.memory_space<hbm>> -> memref<128xi32, #tpu.memory_space<hbm>>
        %dma_start3A_16 = tpu.memref_slice %arg7[%mul3A_13] : memref<160000xi32, #tpu.memory_space<hbm>> -> memref<128xi32, #tpu.memory_space<hbm>>
        tpu.enqueue_dma source(%dma_start3A_16 : memref<128xi32, #tpu.memory_space<hbm>>) target(%arg16 : memref<128xi32, #tpu.memory_space<vmem>>) target_semaphore(%arg22 : memref<!tpu.dma_semaphore, #tpu.memory_space<semaphore_mem>>)
        %dma_start3A_17 = tpu.memref_slice %arg8[%mul3A_13] : memref<160000xf32, #tpu.memory_space<hbm>> -> memref<128xf32, #tpu.memory_space<hbm>>
        %dma_start3A_18 = tpu.memref_slice %arg8[%mul3A_13] : memref<160000xf32, #tpu.memory_space<hbm>> -> memref<128xf32, #tpu.memory_space<hbm>>
        tpu.enqueue_dma source(%dma_start3A_18 : memref<128xf32, #tpu.memory_space<hbm>>) target(%arg19 : memref<128xf32, #tpu.memory_space<vmem>>) target_semaphore(%arg22 : memref<!tpu.dma_semaphore, #tpu.memory_space<semaphore_mem>>)
        %dma_wait3A = tpu.memref_slice %arg6[%mul3A_13] : memref<160000xi32, #tpu.memory_space<hbm>> -> memref<128xi32, #tpu.memory_space<hbm>>
        %dma_wait3A_19 = tpu.memref_slice %arg6[%mul3A_13] : memref<160000xi32, #tpu.memory_space<hbm>> -> memref<128xi32, #tpu.memory_space<hbm>>
        tpu.wait_dma2 semaphore(%arg22 : memref<!tpu.dma_semaphore, #tpu.memory_space<semaphore_mem>>) src(%dma_wait3A_19 : memref<128xi32, #tpu.memory_space<hbm>>) dst(%arg15 : memref<128xi32, #tpu.memory_space<vmem>>)
        %dma_wait3A_20 = tpu.memref_slice %arg7[%mul3A_13] : memref<160000xi32, #tpu.memory_space<hbm>> -> memref<128xi32, #tpu.memory_space<hbm>>
        %dma_wait3A_21 = tpu.memref_slice %arg7[%mul3A_13] : memref<160000xi32, #tpu.memory_space<hbm>> -> memref<128xi32, #tpu.memory_space<hbm>>
        tpu.wait_dma2 semaphore(%arg22 : memref<!tpu.dma_semaphore, #tpu.memory_space<semaphore_mem>>) src(%dma_wait3A_21 : memref<128xi32, #tpu.memory_space<hbm>>) dst(%arg16 : memref<128xi32, #tpu.memory_space<vmem>>)
        %dma_wait3A_22 = tpu.memref_slice %arg8[%mul3A_13] : memref<160000xf32, #tpu.memory_space<hbm>> -> memref<128xf32, #tpu.memory_space<hbm>>
        %dma_wait3A_23 = tpu.memref_slice %arg8[%mul3A_13] : memref<160000xf32, #tpu.memory_space<hbm>> -> memref<128xf32, #tpu.memory_space<hbm>>
        tpu.wait_dma2 semaphore(%arg22 : memref<!tpu.dma_semaphore, #tpu.memory_space<semaphore_mem>>) src(%dma_wait3A_23 : memref<128xf32, #tpu.memory_space<hbm>>) dst(%arg19 : memref<128xf32, #tpu.memory_space<vmem>>)
        %dma_start3A_24 = arith.constant 0 : i32
        %dma_start3A_25 = arith.constant 0 : i32
        %dma_start3A_26 = tpu.memref_slice %arg2[%dma_start3A_24, %dma_start3A_25] : memref<10000x16xf32, #tpu.memory_space<hbm>> -> memref<10000x16xf32, #tpu.memory_space<hbm>>
        tpu.enqueue_indirect_dma source(%dma_start3A_26 : memref<10000x16xf32, #tpu.memory_space<hbm>>) target(%arg17 : memref<128x16xf32, #tpu.memory_space<vmem>>) offsets(%arg15 : memref<128xi32, #tpu.memory_space<vmem>>) semaphore(%arg22 : memref<!tpu.dma_semaphore, #tpu.memory_space<semaphore_mem>>)
        %dma_start3A_27 = arith.constant 0 : i32
        %dma_start3A_28 = arith.constant 0 : i32
        %dma_start3A_29 = tpu.memref_slice %arg3[%dma_start3A_27, %dma_start3A_28] : memref<10000x16xf32, #tpu.memory_space<hbm>> -> memref<10000x16xf32, #tpu.memory_space<hbm>>
        tpu.enqueue_indirect_dma source(%dma_start3A_29 : memref<10000x16xf32, #tpu.memory_space<hbm>>) target(%arg18 : memref<128x16xf32, #tpu.memory_space<vmem>>) offsets(%arg16 : memref<128xi32, #tpu.memory_space<vmem>>) semaphore(%arg23 : memref<!tpu.dma_semaphore, #tpu.memory_space<semaphore_mem>>)
        %get3A = arith.constant 0 : index
        %get3A_30 = tpu.vector_load %arg19[%get3A] {strides = array<i32>} : memref<128xf32, #tpu.memory_space<vmem>>, vector<16xf32>,
        %get3A_31 = arith.constant 0 : index
        %get3A_32 = tpu.vector_load %arg15[%get3A_31] {strides = array<i32>} : memref<128xi32, #tpu.memory_space<vmem>>, vector<16xi32>,
        %gather3A = tpu.vector_load_idx %arg13[%get3A_32] : memref<10000xf32, #tpu.memory_space<vmem>>[vector<16xi32>], vector<16xf32>,
        %sub3A = arith.subf %gather3A, %get3A_30 : vector<16xf32>
        %swap3A = arith.constant 0 : index
        %swap3A_33 = tpu.vector_load %arg20[%swap3A] {strides = array<i32>} : memref<128xf32, #tpu.memory_space<vmem>>, vector<16xf32>,
        tpu.vector_store %arg20[%swap3A], %sub3A {strides = array<i32>} : memref<128xf32, #tpu.memory_space<vmem>>, vector<16xf32>,
        %get3A_34 = arith.constant 0 : index
        %get3A_35 = tpu.vector_load %arg16[%get3A_34] {strides = array<i32>} : memref<128xi32, #tpu.memory_space<vmem>>, vector<16xi32>,
        %gather3A_36 = tpu.vector_load_idx %arg14[%get3A_35] : memref<10000xf32, #tpu.memory_space<vmem>>[vector<16xi32>], vector<16xf32>,
        %sub3A_37 = arith.subf %gather3A_36, %get3A_30 : vector<16xf32>
        %swap3A_38 = arith.constant 0 : index
        %swap3A_39 = tpu.vector_load %arg21[%swap3A_38] {strides = array<i32>} : memref<128xf32, #tpu.memory_space<vmem>>, vector<16xf32>,
        tpu.vector_store %arg21[%swap3A_38], %sub3A_37 {strides = array<i32>} : memref<128xf32, #tpu.memory_space<vmem>>, vector<16xf32>,
        %get3A_40 = arith.constant 16 : index
        %get3A_41 = tpu.vector_load %arg19[%get3A_40] {strides = array<i32>} : memref<128xf32, #tpu.memory_space<vmem>>, vector<16xf32>,
        %get3A_42 = arith.constant 16 : index
        %get3A_43 = tpu.vector_load %arg15[%get3A_42] {strides = array<i32>} : memref<128xi32, #tpu.memory_space<vmem>>, vector<16xi32>,
        %gather3A_44 = tpu.vector_load_idx %arg13[%get3A_43] : memref<10000xf32, #tpu.memory_space<vmem>>[vector<16xi32>], vector<16xf32>,
        %sub3A_45 = arith.subf %gather3A_44, %get3A_41 : vector<16xf32>
        %swap3A_46 = arith.constant 16 : index
        %swap3A_47 = tpu.vector_load %arg20[%swap3A_46] {strides = array<i32>} : memref<128xf32, #tpu.memory_space<vmem>>, vector<16xf32>,
        tpu.vector_store %arg20[%swap3A_46], %sub3A_45 {strides = array<i32>} : memref<128xf32, #tpu.memory_space<vmem>>, vector<16xf32>,
        %get3A_48 = arith.constant 16 : index
        %get3A_49 = tpu.vector_load %arg16[%get3A_48] {strides = array<i32>} : memref<128xi32, #tpu.memory_space<vmem>>, vector<16xi32>,
        %gather3A_50 = tpu.vector_load_idx %arg14[%get3A_49] : memref<10000xf32, #tpu.memory_space<vmem>>[vector<16xi32>], vector<16xf32>,
        %sub3A_51 = arith.subf %gather3A_50, %get3A_41 : vector<16xf32>
        %swap3A_52 = arith.constant 16 : index
        %swap3A_53 = tpu.vector_load %arg21[%swap3A_52] {strides = array<i32>} : memref<128xf32, #tpu.memory_space<vmem>>, vector<16xf32>,
        tpu.vector_store %arg21[%swap3A_52], %sub3A_51 {strides = array<i32>} : memref<128xf32, #tpu.memory_space<vmem>>, vector<16xf32>,
        %get3A_54 = arith.constant 32 : index
        %get3A_55 = tpu.vector_load %arg19[%get3A_54] {strides = array<i32>} : memref<128xf32, #tpu.memory_space<vmem>>, vector<16xf32>,
        %get3A_56 = arith.constant 32 : index
        %get3A_57 = tpu.vector_load %arg15[%get3A_56] {strides = array<i32>} : memref<128xi32, #tpu.memory_space<vmem>>, vector<16xi32>,
        %gather3A_58 = tpu.vector_load_idx %arg13[%get3A_57] : memref<10000xf32, #tpu.memory_space<vmem>>[vector<16xi32>], vector<16xf32>,
        %sub3A_59 = arith.subf %gather3A_58, %get3A_55 : vector<16xf32>
        %swap3A_60 = arith.constant 32 : index
        %swap3A_61 = tpu.vector_load %arg20[%swap3A_60] {strides = array<i32>} : memref<128xf32, #tpu.memory_space<vmem>>, vector<16xf32>,
        tpu.vector_store %arg20[%swap3A_60], %sub3A_59 {strides = array<i32>} : memref<128xf32, #tpu.memory_space<vmem>>, vector<16xf32>,
        %get3A_62 = arith.constant 32 : index
        %get3A_63 = tpu.vector_load %arg16[%get3A_62] {strides = array<i32>} : memref<128xi32, #tpu.memory_space<vmem>>, vector<16xi32>,
        %gather3A_64 = tpu.vector_load_idx %arg14[%get3A_63] : memref<10000xf32, #tpu.memory_space<vmem>>[vector<16xi32>], vector<16xf32>,
        %sub3A_65 = arith.subf %gather3A_64, %get3A_55 : vector<16xf32>
        %swap3A_66 = arith.constant 32 : index
        %swap3A_67 = tpu.vector_load %arg21[%swap3A_66] {strides = array<i32>} : memref<128xf32, #tpu.memory_space<vmem>>, vector<16xf32>,
        tpu.vector_store %arg21[%swap3A_66], %sub3A_65 {strides = array<i32>} : memref<128xf32, #tpu.memory_space<vmem>>, vector<16xf32>,
        %get3A_68 = arith.constant 48 : index
        %get3A_69 = tpu.vector_load %arg19[%get3A_68] {strides = array<i32>} : memref<128xf32, #tpu.memory_space<vmem>>, vector<16xf32>,
        %get3A_70 = arith.constant 48 : index
        %get3A_71 = tpu.vector_load %arg15[%get3A_70] {strides = array<i32>} : memref<128xi32, #tpu.memory_space<vmem>>, vector<16xi32>,
        %gather3A_72 = tpu.vector_load_idx %arg13[%get3A_71] : memref<10000xf32, #tpu.memory_space<vmem>>[vector<16xi32>], vector<16xf32>,
        %sub3A_73 = arith.subf %gather3A_72, %get3A_69 : vector<16xf32>
        %swap3A_74 = arith.constant 48 : index
        %swap3A_75 = tpu.vector_load %arg20[%swap3A_74] {strides = array<i32>} : memref<128xf32, #tpu.memory_space<vmem>>, vector<16xf32>,
        tpu.vector_store %arg20[%swap3A_74], %sub3A_73 {strides = array<i32>} : memref<128xf32, #tpu.memory_space<vmem>>, vector<16xf32>,
        %get3A_76 = arith.constant 48 : index
        %get3A_77 = tpu.vector_load %arg16[%get3A_76] {strides = array<i32>} : memref<128xi32, #tpu.memory_space<vmem>>, vector<16xi32>,
        %gather3A_78 = tpu.vector_load_idx %arg14[%get3A_77] : memref<10000xf32, #tpu.memory_space<vmem>>[vector<16xi32>], vector<16xf32>,
        %sub3A_79 = arith.subf %gather3A_78, %get3A_69 : vector<16xf32>
        %swap3A_80 = arith.constant 48 : index
        %swap3A_81 = tpu.vector_load %arg21[%swap3A_80] {strides = array<i32>} : memref<128xf32, #tpu.memory_space<vmem>>, vector<16xf32>,
        tpu.vector_store %arg21[%swap3A_80], %sub3A_79 {strides = array<i32>} : memref<128xf32, #tpu.memory_space<vmem>>, vector<16xf32>,
        %get3A_82 = arith.constant 64 : index
        %get3A_83 = tpu.vector_load %arg19[%get3A_82] {strides = array<i32>} : memref<128xf32, #tpu.memory_space<vmem>>, vector<16xf32>,
        %get3A_84 = arith.constant 64 : index
        %get3A_85 = tpu.vector_load %arg15[%get3A_84] {strides = array<i32>} : memref<128xi32, #tpu.memory_space<vmem>>, vector<16xi32>,
        %gather3A_86 = tpu.vector_load_idx %arg13[%get3A_85] : memref<10000xf32, #tpu.memory_space<vmem>>[vector<16xi32>], vector<16xf32>,
        %sub3A_87 = arith.subf %gather3A_86, %get3A_83 : vector<16xf32>
        %swap3A_88 = arith.constant 64 : index
        %swap3A_89 = tpu.vector_load %arg20[%swap3A_88] {strides = array<i32>} : memref<128xf32, #tpu.memory_space<vmem>>, vector<16xf32>,
        tpu.vector_store %arg20[%swap3A_88], %sub3A_87 {strides = array<i32>} : memref<128xf32, #tpu.memory_space<vmem>>, vector<16xf32>,
        %get3A_90 = arith.constant 64 : index
        %get3A_91 = tpu.vector_load %arg16[%get3A_90] {strides = array<i32>} : memref<128xi32, #tpu.memory_space<vmem>>, vector<16xi32>,
        %gather3A_92 = tpu.vector_load_idx %arg14[%get3A_91] : memref<10000xf32, #tpu.memory_space<vmem>>[vector<16xi32>], vector<16xf32>,
        %sub3A_93 = arith.subf %gather3A_92, %get3A_83 : vector<16xf32>
        %swap3A_94 = arith.constant 64 : index
        %swap3A_95 = tpu.vector_load %arg21[%swap3A_94] {strides = array<i32>} : memref<128xf32, #tpu.memory_space<vmem>>, vector<16xf32>,
        tpu.vector_store %arg21[%swap3A_94], %sub3A_93 {strides = array<i32>} : memref<128xf32, #tpu.memory_space<vmem>>, vector<16xf32>,
        %get3A_96 = arith.constant 80 : index
        %get3A_97 = tpu.vector_load %arg19[%get3A_96] {strides = array<i32>} : memref<128xf32, #tpu.memory_space<vmem>>, vector<16xf32>,
        %get3A_98 = arith.constant 80 : index
        %get3A_99 = tpu.vector_load %arg15[%get3A_98] {strides = array<i32>} : memref<128xi32, #tpu.memory_space<vmem>>, vector<16xi32>,
        %gather3A_100 = tpu.vector_load_idx %arg13[%get3A_99] : memref<10000xf32, #tpu.memory_space<vmem>>[vector<16xi32>], vector<16xf32>,
        %sub3A_101 = arith.subf %gather3A_100, %get3A_97 : vector<16xf32>
        %swap3A_102 = arith.constant 80 : index
        %swap3A_103 = tpu.vector_load %arg20[%swap3A_102] {strides = array<i32>} : memref<128xf32, #tpu.memory_space<vmem>>, vector<16xf32>,
        tpu.vector_store %arg20[%swap3A_102], %sub3A_101 {strides = array<i32>} : memref<128xf32, #tpu.memory_space<vmem>>, vector<16xf32>,
        %get3A_104 = arith.constant 80 : index
        %get3A_105 = tpu.vector_load %arg16[%get3A_104] {strides = array<i32>} : memref<128xi32, #tpu.memory_space<vmem>>, vector<16xi32>,
        %gather3A_106 = tpu.vector_load_idx %arg14[%get3A_105] : memref<10000xf32, #tpu.memory_space<vmem>>[vector<16xi32>], vector<16xf32>,
        %sub3A_107 = arith.subf %gather3A_106, %get3A_97 : vector<16xf32>
        %swap3A_108 = arith.constant 80 : index
        %swap3A_109 = tpu.vector_load %arg21[%swap3A_108] {strides = array<i32>} : memref<128xf32, #tpu.memory_space<vmem>>, vector<16xf32>,
        tpu.vector_store %arg21[%swap3A_108], %sub3A_107 {strides = array<i32>} : memref<128xf32, #tpu.memory_space<vmem>>, vector<16xf32>,
        %get3A_110 = arith.constant 96 : index
        %get3A_111 = tpu.vector_load %arg19[%get3A_110] {strides = array<i32>} : memref<128xf32, #tpu.memory_space<vmem>>, vector<16xf32>,
        %get3A_112 = arith.constant 96 : index
        %get3A_113 = tpu.vector_load %arg15[%get3A_112] {strides = array<i32>} : memref<128xi32, #tpu.memory_space<vmem>>, vector<16xi32>,
        %gather3A_114 = tpu.vector_load_idx %arg13[%get3A_113] : memref<10000xf32, #tpu.memory_space<vmem>>[vector<16xi32>], vector<16xf32>,
        %sub3A_115 = arith.subf %gather3A_114, %get3A_111 : vector<16xf32>
        %swap3A_116 = arith.constant 96 : index
        %swap3A_117 = tpu.vector_load %arg20[%swap3A_116] {strides = array<i32>} : memref<128xf32, #tpu.memory_space<vmem>>, vector<16xf32>,
        tpu.vector_store %arg20[%swap3A_116], %sub3A_115 {strides = array<i32>} : memref<128xf32, #tpu.memory_space<vmem>>, vector<16xf32>,
        %get3A_118 = arith.constant 96 : index
        %get3A_119 = tpu.vector_load %arg16[%get3A_118] {strides = array<i32>} : memref<128xi32, #tpu.memory_space<vmem>>, vector<16xi32>,
        %gather3A_120 = tpu.vector_load_idx %arg14[%get3A_119] : memref<10000xf32, #tpu.memory_space<vmem>>[vector<16xi32>], vector<16xf32>,
        %sub3A_121 = arith.subf %gather3A_120, %get3A_111 : vector<16xf32>
        %swap3A_122 = arith.constant 96 : index
        %swap3A_123 = tpu.vector_load %arg21[%swap3A_122] {strides = array<i32>} : memref<128xf32, #tpu.memory_space<vmem>>, vector<16xf32>,
        tpu.vector_store %arg21[%swap3A_122], %sub3A_121 {strides = array<i32>} : memref<128xf32, #tpu.memory_space<vmem>>, vector<16xf32>,
        %get3A_124 = arith.constant 112 : index
        %get3A_125 = tpu.vector_load %arg19[%get3A_124] {strides = array<i32>} : memref<128xf32, #tpu.memory_space<vmem>>, vector<16xf32>,
        %get3A_126 = arith.constant 112 : index
        %get3A_127 = tpu.vector_load %arg15[%get3A_126] {strides = array<i32>} : memref<128xi32, #tpu.memory_space<vmem>>, vector<16xi32>,
        %gather3A_128 = tpu.vector_load_idx %arg13[%get3A_127] : memref<10000xf32, #tpu.memory_space<vmem>>[vector<16xi32>], vector<16xf32>,
        %sub3A_129 = arith.subf %gather3A_128, %get3A_125 : vector<16xf32>
        %swap3A_130 = arith.constant 112 : index
        %swap3A_131 = tpu.vector_load %arg20[%swap3A_130] {strides = array<i32>} : memref<128xf32, #tpu.memory_space<vmem>>, vector<16xf32>,
        tpu.vector_store %arg20[%swap3A_130], %sub3A_129 {strides = array<i32>} : memref<128xf32, #tpu.memory_space<vmem>>, vector<16xf32>,
        %get3A_132 = arith.constant 112 : index
        %get3A_133 = tpu.vector_load %arg16[%get3A_132] {strides = array<i32>} : memref<128xi32, #tpu.memory_space<vmem>>, vector<16xi32>,
        %gather3A_134 = tpu.vector_load_idx %arg14[%get3A_133] : memref<10000xf32, #tpu.memory_space<vmem>>[vector<16xi32>], vector<16xf32>,
        %sub3A_135 = arith.subf %gather3A_134, %get3A_125 : vector<16xf32>
        %swap3A_136 = arith.constant 112 : index
        %swap3A_137 = tpu.vector_load %arg21[%swap3A_136] {strides = array<i32>} : memref<128xf32, #tpu.memory_space<vmem>>, vector<16xf32>,
        tpu.vector_store %arg21[%swap3A_136], %sub3A_135 {strides = array<i32>} : memref<128xf32, #tpu.memory_space<vmem>>, vector<16xf32>,
        %dma_wait3A_138 = arith.constant 0 : i32
        %dma_wait3A_139 = arith.constant 0 : i32
        %dma_wait3A_140 = tpu.memref_slice %arg2[%dma_wait3A_138, %dma_wait3A_139] : memref<10000x16xf32, #tpu.memory_space<hbm>> -> memref<10000x16xf32, #tpu.memory_space<hbm>>
        tpu.wait_indirect_dma semaphore(%arg22 : memref<!tpu.dma_semaphore, #tpu.memory_space<semaphore_mem>>) src(%dma_wait3A_140 : memref<10000x16xf32, #tpu.memory_space<hbm>>) dst(%arg17 : memref<128x16xf32, #tpu.memory_space<vmem>>)
        %dma_wait3A_141 = arith.constant 0 : i32
        %dma_wait3A_142 = arith.constant 0 : i32
        %dma_wait3A_143 = tpu.memref_slice %arg3[%dma_wait3A_141, %dma_wait3A_142] : memref<10000x16xf32, #tpu.memory_space<hbm>> -> memref<10000x16xf32, #tpu.memory_space<hbm>>
        tpu.wait_indirect_dma semaphore(%arg23 : memref<!tpu.dma_semaphore, #tpu.memory_space<semaphore_mem>>) src(%dma_wait3A_143 : memref<10000x16xf32, #tpu.memory_space<hbm>>) dst(%arg18 : memref<128x16xf32, #tpu.memory_space<vmem>>)
        %dma_start3A_144 = arith.constant 0 : i32
        %dma_start3A_145 = arith.constant 0 : i32
        %dma_start3A_146 = tpu.memref_slice %arg9[%add3A_9, %dma_start3A_144, %dma_start3A_145] : memref<1250x128x16xf32, #tpu.memory_space<hbm>> -> memref<1x128x16xf32, #tpu.memory_space<hbm>>
        %dma_start3A_147 = tpu.memref_squeeze %dma_start3A_146 : memref<1x128x16xf32, #tpu.memory_space<hbm>> -> memref<128x16xf32, #tpu.memory_space<hbm>>
        %dma_start3A_148 = arith.constant 0 : i32
        %dma_start3A_149 = arith.constant 0 : i32
        %dma_start3A_150 = tpu.memref_slice %arg9[%add3A_9, %dma_start3A_148, %dma_start3A_149] : memref<1250x128x16xf32, #tpu.memory_space<hbm>> -> memref<1x128x16xf32, #tpu.memory_space<hbm>>
        %dma_start3A_151 = tpu.memref_squeeze %dma_start3A_150 : memref<1x128x16xf32, #tpu.memory_space<hbm>> -> memref<128x16xf32, #tpu.memory_space<hbm>>
        tpu.enqueue_dma source(%arg17 : memref<128x16xf32, #tpu.memory_space<vmem>>) target(%dma_start3A_151 : memref<128x16xf32, #tpu.memory_space<hbm>>) target_semaphore(%arg22 : memref<!tpu.dma_semaphore, #tpu.memory_space<semaphore_mem>>)
        %dma_start3A_152 = arith.constant 0 : i32
        %dma_start3A_153 = arith.constant 0 : i32
        %dma_start3A_154 = tpu.memref_slice %arg10[%add3A_9, %dma_start3A_152, %dma_start3A_153] : memref<1250x128x16xf32, #tpu.memory_space<hbm>> -> memref<1x128x16xf32, #tpu.memory_space<hbm>>
        %dma_start3A_155 = tpu.memref_squeeze %dma_start3A_154 : memref<1x128x16xf32, #tpu.memory_space<hbm>> -> memref<128x16xf32, #tpu.memory_space<hbm>>
        %dma_start3A_156 = arith.constant 0 : i32
        %dma_start3A_157 = arith.constant 0 : i32
        %dma_start3A_158 = tpu.memref_slice %arg10[%add3A_9, %dma_start3A_156, %dma_start3A_157] : memref<1250x128x16xf32, #tpu.memory_space<hbm>> -> memref<1x128x16xf32, #tpu.memory_space<hbm>>
        %dma_start3A_159 = tpu.memref_squeeze %dma_start3A_158 : memref<1x128x16xf32, #tpu.memory_space<hbm>> -> memref<128x16xf32, #tpu.memory_space<hbm>>
        tpu.enqueue_dma source(%arg18 : memref<128x16xf32, #tpu.memory_space<vmem>>) target(%dma_start3A_159 : memref<128x16xf32, #tpu.memory_space<hbm>>) target_semaphore(%arg22 : memref<!tpu.dma_semaphore, #tpu.memory_space<semaphore_mem>>)
        %dma_start3A_160 = tpu.memref_slice %arg11[%mul3A_13] : memref<160000xf32, #tpu.memory_space<hbm>> -> memref<128xf32, #tpu.memory_space<hbm>>
        %dma_start3A_161 = tpu.memref_slice %arg11[%mul3A_13] : memref<160000xf32, #tpu.memory_space<hbm>> -> memref<128xf32, #tpu.memory_space<hbm>>
        tpu.enqueue_dma source(%arg20 : memref<128xf32, #tpu.memory_space<vmem>>) target(%dma_start3A_161 : memref<128xf32, #tpu.memory_space<hbm>>) target_semaphore(%arg23 : memref<!tpu.dma_semaphore, #tpu.memory_space<semaphore_mem>>)
        %dma_start3A_162 = tpu.memref_slice %arg12[%mul3A_13] : memref<160000xf32, #tpu.memory_space<hbm>> -> memref<128xf32, #tpu.memory_space<hbm>>
        %dma_start3A_163 = tpu.memref_slice %arg12[%mul3A_13] : memref<160000xf32, #tpu.memory_space<hbm>> -> memref<128xf32, #tpu.memory_space<hbm>>
        tpu.enqueue_dma source(%arg21 : memref<128xf32, #tpu.memory_space<vmem>>) target(%dma_start3A_163 : memref<128xf32, #tpu.memory_space<hbm>>) target_semaphore(%arg23 : memref<!tpu.dma_semaphore, #tpu.memory_space<semaphore_mem>>)
        %dma_wait3A_164 = arith.constant 0 : i32
        %dma_wait3A_165 = arith.constant 0 : i32
        %dma_wait3A_166 = tpu.memref_slice %arg9[%add3A_9, %dma_wait3A_164, %dma_wait3A_165] : memref<1250x128x16xf32, #tpu.memory_space<hbm>> -> memref<1x128x16xf32, #tpu.memory_space<hbm>>
        %dma_wait3A_167 = tpu.memref_squeeze %dma_wait3A_166 : memref<1x128x16xf32, #tpu.memory_space<hbm>> -> memref<128x16xf32, #tpu.memory_space<hbm>>
        %dma_wait3A_168 = arith.constant 0 : i32
        %dma_wait3A_169 = arith.constant 0 : i32
        %dma_wait3A_170 = tpu.memref_slice %arg9[%add3A_9, %dma_wait3A_168, %dma_wait3A_169] : memref<1250x128x16xf32, #tpu.memory_space<hbm>> -> memref<1x128x16xf32, #tpu.memory_space<hbm>>
        %dma_wait3A_171 = tpu.memref_squeeze %dma_wait3A_170 : memref<1x128x16xf32, #tpu.memory_space<hbm>> -> memref<128x16xf32, #tpu.memory_space<hbm>>
        tpu.wait_dma2 semaphore(%arg22 : memref<!tpu.dma_semaphore, #tpu.memory_space<semaphore_mem>>) src(%arg17 : memref<128x16xf32, #tpu.memory_space<vmem>>) dst(%dma_wait3A_171 : memref<128x16xf32, #tpu.memory_space<hbm>>)
        %dma_wait3A_172 = arith.constant 0 : i32
        %dma_wait3A_173 = arith.constant 0 : i32
        %dma_wait3A_174 = tpu.memref_slice %arg10[%add3A_9, %dma_wait3A_172, %dma_wait3A_173] : memref<1250x128x16xf32, #tpu.memory_space<hbm>> -> memref<1x128x16xf32, #tpu.memory_space<hbm>>
        %dma_wait3A_175 = tpu.memref_squeeze %dma_wait3A_174 : memref<1x128x16xf32, #tpu.memory_space<hbm>> -> memref<128x16xf32, #tpu.memory_space<hbm>>
        %dma_wait3A_176 = arith.constant 0 : i32
        %dma_wait3A_177 = arith.constant 0 : i32
        %dma_wait3A_178 = tpu.memref_slice %arg10[%add3A_9, %dma_wait3A_176, %dma_wait3A_177] : memref<1250x128x16xf32, #tpu.memory_space<hbm>> -> memref<1x128x16xf32, #tpu.memory_space<hbm>>
        %dma_wait3A_179 = tpu.memref_squeeze %dma_wait3A_178 : memref<1x128x16xf32, #tpu.memory_space<hbm>> -> memref<128x16xf32, #tpu.memory_space<hbm>>
        tpu.wait_dma2 semaphore(%arg22 : memref<!tpu.dma_semaphore, #tpu.memory_space<semaphore_mem>>) src(%arg18 : memref<128x16xf32, #tpu.memory_space<vmem>>) dst(%dma_wait3A_179 : memref<128x16xf32, #tpu.memory_space<hbm>>)
        %dma_wait3A_180 = tpu.memref_slice %arg11[%mul3A_13] : memref<160000xf32, #tpu.memory_space<hbm>> -> memref<128xf32, #tpu.memory_space<hbm>>
        %dma_wait3A_181 = tpu.memref_slice %arg11[%mul3A_13] : memref<160000xf32, #tpu.memory_space<hbm>> -> memref<128xf32, #tpu.memory_space<hbm>>
        tpu.wait_dma2 semaphore(%arg23 : memref<!tpu.dma_semaphore, #tpu.memory_space<semaphore_mem>>) src(%arg20 : memref<128xf32, #tpu.memory_space<vmem>>) dst(%dma_wait3A_181 : memref<128xf32, #tpu.memory_space<hbm>>)
        %dma_wait3A_182 = tpu.memref_slice %arg12[%mul3A_13] : memref<160000xf32, #tpu.memory_space<hbm>> -> memref<128xf32, #tpu.memory_space<hbm>>
        %dma_wait3A_183 = tpu.memref_slice %arg12[%mul3A_13] : memref<160000xf32, #tpu.memory_space<hbm>> -> memref<128xf32, #tpu.memory_space<hbm>>
        tpu.wait_dma2 semaphore(%arg23 : memref<!tpu.dma_semaphore, #tpu.memory_space<semaphore_mem>>) src(%arg21 : memref<128xf32, #tpu.memory_space<vmem>>) dst(%dma_wait3A_183 : memref<128xf32, #tpu.memory_space<hbm>>)
      } else {
      }
    }
    %scan3A_5 = arith.constant 40 : i32
    return
  }
}

#map = affine_map<(d0, d1) -> (0, 0, 0, 0)>
#map1 = affine_map<(d0, d1) -> (0, 0)>
#map2 = affine_map<(d0, d1) -> (0, 0, 0)>
module attributes {stable_mosaic.version = 14 : i64} {
  func.func @k(%arg0: i32, %arg1: i32, %arg2: memref<2x1250x128x16xf32, #tpu.memory_space<hbm>>, %arg3: memref<2x160000xi32, #tpu.memory_space<hbm>>, %arg4: memref<2x10000x16xf32, #tpu.memory_space<hbm>>, %arg5: memref<128x16xf32, #tpu.memory_space<vmem>>, %arg6: memref<128xi32, #tpu.memory_space<vmem>>, %arg7: memref<625x16xf32, #tpu.memory_space<vmem>>, %arg8: memref<10000x16xf32, #tpu.memory_space<vmem_shared>>, %arg9: memref<!tpu.dma_semaphore, #tpu.memory_space<semaphore_mem>>) attributes {dimension_semantics = [#tpu.dimension_semantics<core_parallel>, #tpu.dimension_semantics<subcore_parallel>], iteration_bounds = array<i64: 2, 16>, scalar_prefetch = 0 : i64, scratch_operands = 5 : i64, tpu.core_type = #tpu.core_type<sc_vector_subcore>, window_params = [{transform_indices = #map}, {transform_indices = #map1}, {transform_indices = #map2}]} {
    %scan3A = arith.constant 0 : i32
    %scan3A_0 = arith.constant 0 : i32
    %scan3A_1 = arith.constant 625 : i32
    %scan3A_2 = arith.addi %scan3A_0, %scan3A_1 : i32
    %scan3A_3 = arith.constant 1 : i32
    scf.for %scan3A_15 = %scan3A_0 to %scan3A_2 step %scan3A_3  : i32 {
      %broadcast_in_dim3A = arith.constant 0.000000e+00 : f32
      %broadcast_in_dim3A_16 = vector.broadcast %broadcast_in_dim3A : f32 to vector<16xf32>
      %swap3A = arith.index_cast %scan3A_15 : i32 to index
      %swap3A_17 = arith.constant 0 : index
      %swap3A_18 = tpu.vector_load %arg7[%swap3A, %swap3A_17] {strides = array<i32>} : memref<625x16xf32, #tpu.memory_space<vmem>>, vector<16xf32>,
      tpu.vector_store %arg7[%swap3A, %swap3A_17], %broadcast_in_dim3A_16 {strides = array<i32>} : memref<625x16xf32, #tpu.memory_space<vmem>>, vector<16xf32>,
    }
    %scan3A_4 = arith.constant 625 : i32
    %mul3A = arith.constant 625 : i32
    %mul3A_5 = arith.muli %arg1, %mul3A : i32
    "tpu.region"() ({
      %run_scoped3A = tpu.sem_alloc : memref<!tpu.dma_semaphore, #tpu.memory_space<semaphore_mem>>
      %dma_start3A = arith.constant 0 : i32
      %dma_start3A_15 = tpu.memref_slice %arg8[%mul3A_5, %dma_start3A] : memref<10000x16xf32, #tpu.memory_space<vmem_shared>> -> memref<625x16xf32, #tpu.memory_space<vmem_shared>>
      %dma_start3A_16 = arith.constant 0 : i32
      %dma_start3A_17 = tpu.memref_slice %arg8[%mul3A_5, %dma_start3A_16] : memref<10000x16xf32, #tpu.memory_space<vmem_shared>> -> memref<625x16xf32, #tpu.memory_space<vmem_shared>>
      tpu.enqueue_dma source(%arg7 : memref<625x16xf32, #tpu.memory_space<vmem>>) target(%dma_start3A_17 : memref<625x16xf32, #tpu.memory_space<vmem_shared>>) target_semaphore(%run_scoped3A : memref<!tpu.dma_semaphore, #tpu.memory_space<semaphore_mem>>)
      %dma_wait3A = arith.constant 0 : i32
      %dma_wait3A_18 = tpu.memref_slice %arg8[%mul3A_5, %dma_wait3A] : memref<10000x16xf32, #tpu.memory_space<vmem_shared>> -> memref<625x16xf32, #tpu.memory_space<vmem_shared>>
      %dma_wait3A_19 = arith.constant 0 : i32
      %dma_wait3A_20 = tpu.memref_slice %arg8[%mul3A_5, %dma_wait3A_19] : memref<10000x16xf32, #tpu.memory_space<vmem_shared>> -> memref<625x16xf32, #tpu.memory_space<vmem_shared>>
      tpu.wait_dma2 semaphore(%run_scoped3A : memref<!tpu.dma_semaphore, #tpu.memory_space<semaphore_mem>>) src(%arg7 : memref<625x16xf32, #tpu.memory_space<vmem>>) dst(%dma_wait3A_20 : memref<625x16xf32, #tpu.memory_space<vmem_shared>>)
      tpu.yield
    }) : () -> ()
    %barrier3A = arith.constant 0 : index
    tpu.barrier barrier_id(%barrier3A)
    %scan3A_6 = arith.constant 0 : i32
    %scan3A_7 = arith.constant 0 : i32
    %scan3A_8 = arith.constant 79 : i32
    %scan3A_9 = arith.addi %scan3A_7, %scan3A_8 : i32
    %scan3A_10 = arith.constant 1 : i32
    scf.for %scan3A_15 = %scan3A_7 to %scan3A_9 step %scan3A_10  : i32 {
      %mul3A_16 = arith.constant 16 : i32
      %mul3A_17 = arith.muli %scan3A_15, %mul3A_16 : i32
      %add3A = arith.addi %mul3A_17, %arg1 : i32
      %lt3A = arith.constant 1250 : i32
      %lt3A_18 = arith.cmpi slt, %add3A, %lt3A : i32
      %convert_element_type3A = arith.extui %lt3A_18 : i1 to i32
      %cond3A = arith.constant 0 : i32
      %cond3A_19 = arith.cmpi ne, %convert_element_type3A, %cond3A : i32
      scf.if %cond3A_19 {
        %mul3A_20 = arith.constant 128 : i32
        %mul3A_21 = arith.muli %add3A, %mul3A_20 : i32
        %dma_start3A = tpu.memref_slice %arg3[%arg0, %mul3A_21] : memref<2x160000xi32, #tpu.memory_space<hbm>> -> memref<1x128xi32, #tpu.memory_space<hbm>>
        %dma_start3A_22 = tpu.memref_squeeze %dma_start3A : memref<1x128xi32, #tpu.memory_space<hbm>> -> memref<128xi32, #tpu.memory_space<hbm>>
        %dma_start3A_23 = tpu.memref_slice %arg3[%arg0, %mul3A_21] : memref<2x160000xi32, #tpu.memory_space<hbm>> -> memref<1x128xi32, #tpu.memory_space<hbm>>
        %dma_start3A_24 = tpu.memref_squeeze %dma_start3A_23 : memref<1x128xi32, #tpu.memory_space<hbm>> -> memref<128xi32, #tpu.memory_space<hbm>>
        tpu.enqueue_dma source(%dma_start3A_24 : memref<128xi32, #tpu.memory_space<hbm>>) target(%arg6 : memref<128xi32, #tpu.memory_space<vmem>>) target_semaphore(%arg9 : memref<!tpu.dma_semaphore, #tpu.memory_space<semaphore_mem>>)
        %dma_start3A_25 = arith.constant 0 : i32
        %dma_start3A_26 = arith.constant 0 : i32
        %dma_start3A_27 = tpu.memref_slice %arg2[%arg0, %add3A, %dma_start3A_25, %dma_start3A_26] : memref<2x1250x128x16xf32, #tpu.memory_space<hbm>> -> memref<1x1x128x16xf32, #tpu.memory_space<hbm>>
        %dma_start3A_28 = tpu.memref_squeeze %dma_start3A_27 : memref<1x1x128x16xf32, #tpu.memory_space<hbm>> -> memref<128x16xf32, #tpu.memory_space<hbm>>
        %dma_start3A_29 = arith.constant 0 : i32
        %dma_start3A_30 = arith.constant 0 : i32
        %dma_start3A_31 = tpu.memref_slice %arg2[%arg0, %add3A, %dma_start3A_29, %dma_start3A_30] : memref<2x1250x128x16xf32, #tpu.memory_space<hbm>> -> memref<1x1x128x16xf32, #tpu.memory_space<hbm>>
        %dma_start3A_32 = tpu.memref_squeeze %dma_start3A_31 : memref<1x1x128x16xf32, #tpu.memory_space<hbm>> -> memref<128x16xf32, #tpu.memory_space<hbm>>
        tpu.enqueue_dma source(%dma_start3A_32 : memref<128x16xf32, #tpu.memory_space<hbm>>) target(%arg5 : memref<128x16xf32, #tpu.memory_space<vmem>>) target_semaphore(%arg9 : memref<!tpu.dma_semaphore, #tpu.memory_space<semaphore_mem>>)
        %dma_wait3A = tpu.memref_slice %arg3[%arg0, %mul3A_21] : memref<2x160000xi32, #tpu.memory_space<hbm>> -> memref<1x128xi32, #tpu.memory_space<hbm>>
        %dma_wait3A_33 = tpu.memref_squeeze %dma_wait3A : memref<1x128xi32, #tpu.memory_space<hbm>> -> memref<128xi32, #tpu.memory_space<hbm>>
        %dma_wait3A_34 = tpu.memref_slice %arg3[%arg0, %mul3A_21] : memref<2x160000xi32, #tpu.memory_space<hbm>> -> memref<1x128xi32, #tpu.memory_space<hbm>>
        %dma_wait3A_35 = tpu.memref_squeeze %dma_wait3A_34 : memref<1x128xi32, #tpu.memory_space<hbm>> -> memref<128xi32, #tpu.memory_space<hbm>>
        tpu.wait_dma2 semaphore(%arg9 : memref<!tpu.dma_semaphore, #tpu.memory_space<semaphore_mem>>) src(%dma_wait3A_35 : memref<128xi32, #tpu.memory_space<hbm>>) dst(%arg6 : memref<128xi32, #tpu.memory_space<vmem>>)
        %dma_wait3A_36 = arith.constant 0 : i32
        %dma_wait3A_37 = arith.constant 0 : i32
        %dma_wait3A_38 = tpu.memref_slice %arg2[%arg0, %add3A, %dma_wait3A_36, %dma_wait3A_37] : memref<2x1250x128x16xf32, #tpu.memory_space<hbm>> -> memref<1x1x128x16xf32, #tpu.memory_space<hbm>>
        %dma_wait3A_39 = tpu.memref_squeeze %dma_wait3A_38 : memref<1x1x128x16xf32, #tpu.memory_space<hbm>> -> memref<128x16xf32, #tpu.memory_space<hbm>>
        %dma_wait3A_40 = arith.constant 0 : i32
        %dma_wait3A_41 = arith.constant 0 : i32
        %dma_wait3A_42 = tpu.memref_slice %arg2[%arg0, %add3A, %dma_wait3A_40, %dma_wait3A_41] : memref<2x1250x128x16xf32, #tpu.memory_space<hbm>> -> memref<1x1x128x16xf32, #tpu.memory_space<hbm>>
        %dma_wait3A_43 = tpu.memref_squeeze %dma_wait3A_42 : memref<1x1x128x16xf32, #tpu.memory_space<hbm>> -> memref<128x16xf32, #tpu.memory_space<hbm>>
        tpu.wait_dma2 semaphore(%arg9 : memref<!tpu.dma_semaphore, #tpu.memory_space<semaphore_mem>>) src(%dma_wait3A_43 : memref<128x16xf32, #tpu.memory_space<hbm>>) dst(%arg5 : memref<128x16xf32, #tpu.memory_space<vmem>>)
        "tpu.region"() ({
          %run_scoped3A = tpu.sem_alloc : memref<!tpu.dma_semaphore, #tpu.memory_space<semaphore_mem>>
          %dma_start3A_44 = arith.constant 0 : i32
          %dma_start3A_45 = arith.constant 0 : i32
          %dma_start3A_46 = tpu.memref_slice %arg8[%dma_start3A_44, %dma_start3A_45] : memref<10000x16xf32, #tpu.memory_space<vmem_shared>> -> memref<10000x16xf32, #tpu.memory_space<vmem_shared>>
          tpu.enqueue_indirect_dma source(%arg5 : memref<128x16xf32, #tpu.memory_space<vmem>>) target(%dma_start3A_46 : memref<10000x16xf32, #tpu.memory_space<vmem_shared>>) offsets(%arg6 : memref<128xi32, #tpu.memory_space<vmem>>) semaphore(%run_scoped3A : memref<!tpu.dma_semaphore, #tpu.memory_space<semaphore_mem>>) {add = true}
          %dma_wait3A_47 = arith.constant 0 : i32
          %dma_wait3A_48 = arith.constant 0 : i32
          %dma_wait3A_49 = tpu.memref_slice %arg8[%dma_wait3A_47, %dma_wait3A_48] : memref<10000x16xf32, #tpu.memory_space<vmem_shared>> -> memref<10000x16xf32, #tpu.memory_space<vmem_shared>>
          tpu.wait_indirect_dma semaphore(%run_scoped3A : memref<!tpu.dma_semaphore, #tpu.memory_space<semaphore_mem>>) src(%arg5 : memref<128x16xf32, #tpu.memory_space<vmem>>) dst(%dma_wait3A_49 : memref<10000x16xf32, #tpu.memory_space<vmem_shared>>)
          tpu.yield
        }) : () -> ()
      } else {
      }
    }
    %scan3A_11 = arith.constant 79 : i32
    %barrier3A_12 = arith.constant 0 : index
    tpu.barrier barrier_id(%barrier3A_12)
    %mul3A_13 = arith.constant 625 : i32
    %mul3A_14 = arith.muli %arg1, %mul3A_13 : i32
    "tpu.region"() ({
      %run_scoped3A = tpu.sem_alloc : memref<!tpu.dma_semaphore, #tpu.memory_space<semaphore_mem>>
      %dma_start3A = arith.constant 0 : i32
      %dma_start3A_15 = tpu.memref_slice %arg8[%mul3A_14, %dma_start3A] : memref<10000x16xf32, #tpu.memory_space<vmem_shared>> -> memref<625x16xf32, #tpu.memory_space<vmem_shared>>
      %dma_start3A_16 = arith.constant 0 : i32
      %dma_start3A_17 = tpu.memref_slice %arg8[%mul3A_14, %dma_start3A_16] : memref<10000x16xf32, #tpu.memory_space<vmem_shared>> -> memref<625x16xf32, #tpu.memory_space<vmem_shared>>
      tpu.enqueue_dma source(%dma_start3A_17 : memref<625x16xf32, #tpu.memory_space<vmem_shared>>) target(%arg7 : memref<625x16xf32, #tpu.memory_space<vmem>>) target_semaphore(%run_scoped3A : memref<!tpu.dma_semaphore, #tpu.memory_space<semaphore_mem>>)
      %dma_wait3A = arith.constant 0 : i32
      %dma_wait3A_18 = tpu.memref_slice %arg8[%mul3A_14, %dma_wait3A] : memref<10000x16xf32, #tpu.memory_space<vmem_shared>> -> memref<625x16xf32, #tpu.memory_space<vmem_shared>>
      %dma_wait3A_19 = arith.constant 0 : i32
      %dma_wait3A_20 = tpu.memref_slice %arg8[%mul3A_14, %dma_wait3A_19] : memref<10000x16xf32, #tpu.memory_space<vmem_shared>> -> memref<625x16xf32, #tpu.memory_space<vmem_shared>>
      tpu.wait_dma2 semaphore(%run_scoped3A : memref<!tpu.dma_semaphore, #tpu.memory_space<semaphore_mem>>) src(%dma_wait3A_20 : memref<625x16xf32, #tpu.memory_space<vmem_shared>>) dst(%arg7 : memref<625x16xf32, #tpu.memory_space<vmem>>)
      tpu.yield
    }) : () -> ()
    "tpu.region"() ({
      %run_scoped3A = tpu.sem_alloc : memref<!tpu.dma_semaphore, #tpu.memory_space<semaphore_mem>>
      %dma_start3A = arith.constant 0 : i32
      %dma_start3A_15 = tpu.memref_slice %arg4[%arg0, %mul3A_14, %dma_start3A] : memref<2x10000x16xf32, #tpu.memory_space<hbm>> -> memref<1x625x16xf32, #tpu.memory_space<hbm>>
      %dma_start3A_16 = tpu.memref_squeeze %dma_start3A_15 : memref<1x625x16xf32, #tpu.memory_space<hbm>> -> memref<625x16xf32, #tpu.memory_space<hbm>>
      %dma_start3A_17 = arith.constant 0 : i32
      %dma_start3A_18 = tpu.memref_slice %arg4[%arg0, %mul3A_14, %dma_start3A_17] : memref<2x10000x16xf32, #tpu.memory_space<hbm>> -> memref<1x625x16xf32, #tpu.memory_space<hbm>>
      %dma_start3A_19 = tpu.memref_squeeze %dma_start3A_18 : memref<1x625x16xf32, #tpu.memory_space<hbm>> -> memref<625x16xf32, #tpu.memory_space<hbm>>
      tpu.enqueue_dma source(%arg7 : memref<625x16xf32, #tpu.memory_space<vmem>>) target(%dma_start3A_19 : memref<625x16xf32, #tpu.memory_space<hbm>>) target_semaphore(%run_scoped3A : memref<!tpu.dma_semaphore, #tpu.memory_space<semaphore_mem>>)
      %dma_wait3A = arith.constant 0 : i32
      %dma_wait3A_20 = tpu.memref_slice %arg4[%arg0, %mul3A_14, %dma_wait3A] : memref<2x10000x16xf32, #tpu.memory_space<hbm>> -> memref<1x625x16xf32, #tpu.memory_space<hbm>>
      %dma_wait3A_21 = tpu.memref_squeeze %dma_wait3A_20 : memref<1x625x16xf32, #tpu.memory_space<hbm>> -> memref<625x16xf32, #tpu.memory_space<hbm>>
      %dma_wait3A_22 = arith.constant 0 : i32
      %dma_wait3A_23 = tpu.memref_slice %arg4[%arg0, %mul3A_14, %dma_wait3A_22] : memref<2x10000x16xf32, #tpu.memory_space<hbm>> -> memref<1x625x16xf32, #tpu.memory_space<hbm>>
      %dma_wait3A_24 = tpu.memref_squeeze %dma_wait3A_23 : memref<1x625x16xf32, #tpu.memory_space<hbm>> -> memref<625x16xf32, #tpu.memory_space<hbm>>
      tpu.wait_dma2 semaphore(%run_scoped3A : memref<!tpu.dma_semaphore, #tpu.memory_space<semaphore_mem>>) src(%arg7 : memref<625x16xf32, #tpu.memory_space<vmem>>) dst(%dma_wait3A_24 : memref<625x16xf32, #tpu.memory_space<hbm>>)
      tpu.yield
    }) : () -> ()
    return
  }
}

module attributes {stable_mosaic.version = 14 : i64} {
  func.func @_dense_body(%arg0: i32, %arg1: memref<400x128xf32, #tpu.memory_space<vmem>>, %arg2: memref<400x128xf32, #tpu.memory_space<vmem>>, %arg3: memref<400x128xf32, #tpu.memory_space<vmem>>, %arg4: memref<400x128xf32, #tpu.memory_space<vmem>>, %arg5: memref<1x128xf32, #tpu.memory_space<vmem>>, %arg6: memref<128x128xf32, #tpu.memory_space<vmem>>, %arg7: memref<128x2048xbf16, #tpu.memory_space<vmem>>, %arg8: memref<1x128xf32, #tpu.memory_space<vmem>>, %arg9: memref<128x128xf32, #tpu.memory_space<vmem>>, %arg10: memref<128x2048xbf16, #tpu.memory_space<vmem>>, %arg11: memref<128x2048xbf16, #tpu.memory_space<vmem>>, %arg12: memref<2048x128xbf16, #tpu.memory_space<vmem>>, %arg13: memref<2x400x128xf32, #tpu.memory_space<vmem>>) attributes {dimension_semantics = [#tpu.dimension_semantics<arbitrary>], iteration_bounds = array<i64: 50>, scalar_prefetch = 0 : i64, scratch_operands = 0 : i64, tpu.core_type = #tpu.core_type<tc>, window_params = [{transform_indices = @transform_0, window_bounds = array<i64: 400, 128>}, {transform_indices = @transform_1, window_bounds = array<i64: 400, 128>}, {transform_indices = @transform_2, window_bounds = array<i64: 400, 128>}, {transform_indices = @transform_3, window_bounds = array<i64: 400, 128>}, {pipeline_mode = #tpu.pipeline_mode<synchronous>, transform_indices = @transform_4, window_bounds = array<i64: 1, 128>}, {pipeline_mode = #tpu.pipeline_mode<synchronous>, transform_indices = @transform_5, window_bounds = array<i64: 128, 128>}, {pipeline_mode = #tpu.pipeline_mode<synchronous>, transform_indices = @transform_6, window_bounds = array<i64: 128, 2048>}, {pipeline_mode = #tpu.pipeline_mode<synchronous>, transform_indices = @transform_7, window_bounds = array<i64: 1, 128>}, {pipeline_mode = #tpu.pipeline_mode<synchronous>, transform_indices = @transform_8, window_bounds = array<i64: 128, 128>}, {pipeline_mode = #tpu.pipeline_mode<synchronous>, transform_indices = @transform_9, window_bounds = array<i64: 128, 2048>}, {pipeline_mode = #tpu.pipeline_mode<synchronous>, transform_indices = @transform_10, window_bounds = array<i64: 128, 2048>}, {pipeline_mode = #tpu.pipeline_mode<synchronous>, transform_indices = @transform_11, window_bounds = array<i64: 2048, 128>}, {transform_indices = @transform_12, window_bounds = array<i64: 2, 400, 128>}]} {
    %get3A = arith.constant 0 : index
    %get3A_0 = arith.constant 0 : index
    %get3A_1 = vector.load %arg11[%get3A, %get3A_0] : memref<128x2048xbf16, #tpu.memory_space<vmem>>, vector<128x2048xbf16>
    %get3A_2 = arith.constant 0 : index
    %get3A_3 = arith.constant 0 : index
    %get3A_4 = vector.load %arg12[%get3A_2, %get3A_3] : memref<2048x128xbf16, #tpu.memory_space<vmem>>, vector<2048x128xbf16>
    %get3A_5 = arith.constant 0 : index
    %get3A_6 = arith.constant 0 : index
    %get3A_7 = vector.load %arg2[%get3A_5, %get3A_6] : memref<400x128xf32, #tpu.memory_space<vmem>>, vector<400x128xf32>
    %get3A_8 = arith.constant 0 : index
    %get3A_9 = arith.constant 0 : index
    %get3A_10 = vector.load %arg8[%get3A_8, %get3A_9] : memref<1x128xf32, #tpu.memory_space<vmem>>, vector<1x128xf32>
    %get3A_11 = arith.constant 0 : index
    %get3A_12 = arith.constant 0 : index
    %get3A_13 = vector.load %arg9[%get3A_11, %get3A_12] : memref<128x128xf32, #tpu.memory_space<vmem>>, vector<128x128xf32>
    %get3A_14 = arith.constant 0 : index
    %get3A_15 = arith.constant 0 : index
    %get3A_16 = vector.load %arg10[%get3A_14, %get3A_15] : memref<128x2048xbf16, #tpu.memory_space<vmem>>, vector<128x2048xbf16>
    %get3A_17 = arith.constant 0 : index
    %get3A_18 = arith.constant 0 : index
    %get3A_19 = vector.load %arg4[%get3A_17, %get3A_18] : memref<400x128xf32, #tpu.memory_space<vmem>>, vector<400x128xf32>
    %mul3A = vector.broadcast %get3A_10 : vector<1x128xf32> to vector<400x128xf32>
    %mul3A_20 = arith.mulf %get3A_7, %mul3A : vector<400x128xf32>
    %round3A = math.roundeven %mul3A_20 : vector<400x128xf32>
    %sub3A = arith.subf %mul3A_20, %round3A : vector<400x128xf32>
    %mul3A_21 = arith.mulf %sub3A, %sub3A : vector<400x128xf32>
    %mul3A_22 = arith.constant 33.1688118 : f32
    %mul3A_23 = vector.broadcast %mul3A_22 : f32 to vector<400x128xf32>
    %mul3A_24 = arith.mulf %mul3A_21, %mul3A_23 : vector<400x128xf32>
    %add3A = arith.constant -74.6762237 : f32
    %add3A_25 = vector.broadcast %add3A : f32 to vector<400x128xf32>
    %add3A_26 = arith.addf %add3A_25, %mul3A_24 : vector<400x128xf32>
    %mul3A_27 = arith.mulf %mul3A_21, %add3A_26 : vector<400x128xf32>
    %add3A_28 = arith.constant 81.4001389 : f32
    %add3A_29 = vector.broadcast %add3A_28 : f32 to vector<400x128xf32>
    %add3A_30 = arith.addf %add3A_29, %mul3A_27 : vector<400x128xf32>
    %mul3A_31 = arith.mulf %mul3A_21, %add3A_30 : vector<400x128xf32>
    %add3A_32 = arith.constant -41.333252 : f32
    %add3A_33 = vector.broadcast %add3A_32 : f32 to vector<400x128xf32>
    %add3A_34 = arith.addf %add3A_33, %mul3A_31 : vector<400x128xf32>
    %mul3A_35 = arith.mulf %mul3A_21, %add3A_34 : vector<400x128xf32>
    %add3A_36 = arith.constant 6.28308868 : f32
    %add3A_37 = vector.broadcast %add3A_36 : f32 to vector<400x128xf32>
    %add3A_38 = arith.addf %add3A_37, %mul3A_35 : vector<400x128xf32>
    %mul3A_39 = arith.mulf %sub3A, %add3A_38 : vector<400x128xf32>
    %dot_general3A = arith.constant dense<0.000000e+00> : vector<400x128xf32>
    %dot_general3A_40 = tpu.matmul %mul3A_39, %get3A_13, %dot_general3A {dimension_numbers = #tpu.dot_dimension_numbers<[1], [0], [0], [1], [0, 0, 1, 1], [], []>, transpose_lhs_hint = false} : vector<400x128xf32>, vector<128x128xf32>, vector<400x128xf32> -> vector<400x128xf32>
    %round3A_41 = math.roundeven %dot_general3A_40 : vector<400x128xf32>
    %sub3A_42 = arith.subf %dot_general3A_40, %round3A_41 : vector<400x128xf32>
    %mul3A_43 = arith.mulf %sub3A_42, %sub3A_42 : vector<400x128xf32>
    %mul3A_44 = arith.constant 33.1688118 : f32
    %mul3A_45 = vector.broadcast %mul3A_44 : f32 to vector<400x128xf32>
    %mul3A_46 = arith.mulf %mul3A_43, %mul3A_45 : vector<400x128xf32>
    %add3A_47 = arith.constant -74.6762237 : f32
    %add3A_48 = vector.broadcast %add3A_47 : f32 to vector<400x128xf32>
    %add3A_49 = arith.addf %add3A_48, %mul3A_46 : vector<400x128xf32>
    %mul3A_50 = arith.mulf %mul3A_43, %add3A_49 : vector<400x128xf32>
    %add3A_51 = arith.constant 81.4001389 : f32
    %add3A_52 = vector.broadcast %add3A_51 : f32 to vector<400x128xf32>
    %add3A_53 = arith.addf %add3A_52, %mul3A_50 : vector<400x128xf32>
    %mul3A_54 = arith.mulf %mul3A_43, %add3A_53 : vector<400x128xf32>
    %add3A_55 = arith.constant -41.333252 : f32
    %add3A_56 = vector.broadcast %add3A_55 : f32 to vector<400x128xf32>
    %add3A_57 = arith.addf %add3A_56, %mul3A_54 : vector<400x128xf32>
    %mul3A_58 = arith.mulf %mul3A_43, %add3A_57 : vector<400x128xf32>
    %add3A_59 = arith.constant 6.28308868 : f32
    %add3A_60 = vector.broadcast %add3A_59 : f32 to vector<400x128xf32>
    %add3A_61 = arith.addf %add3A_60, %mul3A_58 : vector<400x128xf32>
    %mul3A_62 = arith.mulf %sub3A_42, %add3A_61 : vector<400x128xf32>
    %convert_element_type3A = arith.truncf %mul3A_62 : vector<400x128xf32> to vector<400x128xbf16>
    %dot_general3A_63 = arith.constant dense<0.000000e+00> : vector<400x2048xf32>
    %dot_general3A_64 = tpu.matmul %convert_element_type3A, %get3A_16, %dot_general3A_63 {dimension_numbers = #tpu.dot_dimension_numbers<[1], [0], [0], [1], [0, 0, 1, 1], [], []>, transpose_lhs_hint = false} : vector<400x128xbf16>, vector<128x2048xbf16>, vector<400x2048xf32> -> vector<400x2048xf32>
    %convert_element_type3A_65 = arith.truncf %dot_general3A_64 : vector<400x2048xf32> to vector<400x2048xbf16>
    %convert_element_type3A_66 = arith.truncf %get3A_19 : vector<400x128xf32> to vector<400x128xbf16>
    %dot_general3A_67 = arith.constant dense<0.000000e+00> : vector<400x2048xf32>
    %dot_general3A_68 = tpu.matmul %convert_element_type3A_66, %get3A_1, %dot_general3A_67 {dimension_numbers = #tpu.dot_dimension_numbers<[1], [0], [0], [1], [0, 0, 1, 1], [], []>, transpose_lhs_hint = false} : vector<400x128xbf16>, vector<128x2048xbf16>, vector<400x2048xf32> -> vector<400x2048xf32>
    %convert_element_type3A_69 = arith.truncf %dot_general3A_68 : vector<400x2048xf32> to vector<400x2048xbf16>
    %mul3A_70 = arith.mulf %convert_element_type3A_65, %convert_element_type3A_69 : vector<400x2048xbf16>
    %dot_general3A_71 = arith.constant dense<0.000000e+00> : vector<400x128xf32>
    %dot_general3A_72 = tpu.matmul %mul3A_70, %get3A_4, %dot_general3A_71 {dimension_numbers = #tpu.dot_dimension_numbers<[1], [0], [0], [1], [0, 0, 1, 1], [], []>, transpose_lhs_hint = false} : vector<400x2048xbf16>, vector<2048x128xbf16>, vector<400x128xf32> -> vector<400x128xf32>
    %swap3A = arith.constant 0 : index
    %swap3A_73 = arith.constant 0 : index
    %swap3A_74 = arith.constant 0 : index
    %swap3A_75 = vector.load %arg13[%swap3A, %swap3A_73, %swap3A_74] : memref<2x400x128xf32, #tpu.memory_space<vmem>>, vector<1x400x128xf32>
    %swap3A_76 = vector.shape_cast %swap3A_75 : vector<1x400x128xf32> to vector<400x128xf32>
    %swap3A_77 = vector.shape_cast %dot_general3A_72 : vector<400x128xf32> to vector<1x400x128xf32>
    tpu.vector_store %arg13[%swap3A, %swap3A_73, %swap3A_74], %swap3A_77 {strides = array<i32>} : memref<2x400x128xf32, #tpu.memory_space<vmem>>, vector<1x400x128xf32>,
    %get3A_78 = arith.constant 0 : index
    %get3A_79 = arith.constant 0 : index
    %get3A_80 = vector.load %arg1[%get3A_78, %get3A_79] : memref<400x128xf32, #tpu.memory_space<vmem>>, vector<400x128xf32>
    %get3A_81 = arith.constant 0 : index
    %get3A_82 = arith.constant 0 : index
    %get3A_83 = vector.load %arg5[%get3A_81, %get3A_82] : memref<1x128xf32, #tpu.memory_space<vmem>>, vector<1x128xf32>
    %get3A_84 = arith.constant 0 : index
    %get3A_85 = arith.constant 0 : index
    %get3A_86 = vector.load %arg6[%get3A_84, %get3A_85] : memref<128x128xf32, #tpu.memory_space<vmem>>, vector<128x128xf32>
    %get3A_87 = arith.constant 0 : index
    %get3A_88 = arith.constant 0 : index
    %get3A_89 = vector.load %arg7[%get3A_87, %get3A_88] : memref<128x2048xbf16, #tpu.memory_space<vmem>>, vector<128x2048xbf16>
    %get3A_90 = arith.constant 0 : index
    %get3A_91 = arith.constant 0 : index
    %get3A_92 = vector.load %arg3[%get3A_90, %get3A_91] : memref<400x128xf32, #tpu.memory_space<vmem>>, vector<400x128xf32>
    %mul3A_93 = vector.broadcast %get3A_83 : vector<1x128xf32> to vector<400x128xf32>
    %mul3A_94 = arith.mulf %get3A_80, %mul3A_93 : vector<400x128xf32>
    %round3A_95 = math.roundeven %mul3A_94 : vector<400x128xf32>
    %sub3A_96 = arith.subf %mul3A_94, %round3A_95 : vector<400x128xf32>
    %mul3A_97 = arith.mulf %sub3A_96, %sub3A_96 : vector<400x128xf32>
    %mul3A_98 = arith.constant 33.1688118 : f32
    %mul3A_99 = vector.broadcast %mul3A_98 : f32 to vector<400x128xf32>
    %mul3A_100 = arith.mulf %mul3A_97, %mul3A_99 : vector<400x128xf32>
    %add3A_101 = arith.constant -74.6762237 : f32
    %add3A_102 = vector.broadcast %add3A_101 : f32 to vector<400x128xf32>
    %add3A_103 = arith.addf %add3A_102, %mul3A_100 : vector<400x128xf32>
    %mul3A_104 = arith.mulf %mul3A_97, %add3A_103 : vector<400x128xf32>
    %add3A_105 = arith.constant 81.4001389 : f32
    %add3A_106 = vector.broadcast %add3A_105 : f32 to vector<400x128xf32>
    %add3A_107 = arith.addf %add3A_106, %mul3A_104 : vector<400x128xf32>
    %mul3A_108 = arith.mulf %mul3A_97, %add3A_107 : vector<400x128xf32>
    %add3A_109 = arith.constant -41.333252 : f32
    %add3A_110 = vector.broadcast %add3A_109 : f32 to vector<400x128xf32>
    %add3A_111 = arith.addf %add3A_110, %mul3A_108 : vector<400x128xf32>
    %mul3A_112 = arith.mulf %mul3A_97, %add3A_111 : vector<400x128xf32>
    %add3A_113 = arith.constant 6.28308868 : f32
    %add3A_114 = vector.broadcast %add3A_113 : f32 to vector<400x128xf32>
    %add3A_115 = arith.addf %add3A_114, %mul3A_112 : vector<400x128xf32>
    %mul3A_116 = arith.mulf %sub3A_96, %add3A_115 : vector<400x128xf32>
    %dot_general3A_117 = arith.constant dense<0.000000e+00> : vector<400x128xf32>
    %dot_general3A_118 = tpu.matmul %mul3A_116, %get3A_86, %dot_general3A_117 {dimension_numbers = #tpu.dot_dimension_numbers<[1], [0], [0], [1], [0, 0, 1, 1], [], []>, transpose_lhs_hint = false} : vector<400x128xf32>, vector<128x128xf32>, vector<400x128xf32> -> vector<400x128xf32>
    %round3A_119 = math.roundeven %dot_general3A_118 : vector<400x128xf32>
    %sub3A_120 = arith.subf %dot_general3A_118, %round3A_119 : vector<400x128xf32>
    %mul3A_121 = arith.mulf %sub3A_120, %sub3A_120 : vector<400x128xf32>
    %mul3A_122 = arith.constant 33.1688118 : f32
    %mul3A_123 = vector.broadcast %mul3A_122 : f32 to vector<400x128xf32>
    %mul3A_124 = arith.mulf %mul3A_121, %mul3A_123 : vector<400x128xf32>
    %add3A_125 = arith.constant -74.6762237 : f32
    %add3A_126 = vector.broadcast %add3A_125 : f32 to vector<400x128xf32>
    %add3A_127 = arith.addf %add3A_126, %mul3A_124 : vector<400x128xf32>
    %mul3A_128 = arith.mulf %mul3A_121, %add3A_127 : vector<400x128xf32>
    %add3A_129 = arith.constant 81.4001389 : f32
    %add3A_130 = vector.broadcast %add3A_129 : f32 to vector<400x128xf32>
    %add3A_131 = arith.addf %add3A_130, %mul3A_128 : vector<400x128xf32>
    %mul3A_132 = arith.mulf %mul3A_121, %add3A_131 : vector<400x128xf32>
    %add3A_133 = arith.constant -41.333252 : f32
    %add3A_134 = vector.broadcast %add3A_133 : f32 to vector<400x128xf32>
    %add3A_135 = arith.addf %add3A_134, %mul3A_132 : vector<400x128xf32>
    %mul3A_136 = arith.mulf %mul3A_121, %add3A_135 : vector<400x128xf32>
    %add3A_137 = arith.constant 6.28308868 : f32
    %add3A_138 = vector.broadcast %add3A_137 : f32 to vector<400x128xf32>
    %add3A_139 = arith.addf %add3A_138, %mul3A_136 : vector<400x128xf32>
    %mul3A_140 = arith.mulf %sub3A_120, %add3A_139 : vector<400x128xf32>
    %convert_element_type3A_141 = arith.truncf %mul3A_140 : vector<400x128xf32> to vector<400x128xbf16>
    %dot_general3A_142 = arith.constant dense<0.000000e+00> : vector<400x2048xf32>
    %dot_general3A_143 = tpu.matmul %convert_element_type3A_141, %get3A_89, %dot_general3A_142 {dimension_numbers = #tpu.dot_dimension_numbers<[1], [0], [0], [1], [0, 0, 1, 1], [], []>, transpose_lhs_hint = false} : vector<400x128xbf16>, vector<128x2048xbf16>, vector<400x2048xf32> -> vector<400x2048xf32>
    %convert_element_type3A_144 = arith.truncf %dot_general3A_143 : vector<400x2048xf32> to vector<400x2048xbf16>
    %convert_element_type3A_145 = arith.truncf %get3A_92 : vector<400x128xf32> to vector<400x128xbf16>
    %dot_general3A_146 = arith.constant dense<0.000000e+00> : vector<400x2048xf32>
    %dot_general3A_147 = tpu.matmul %convert_element_type3A_145, %get3A_1, %dot_general3A_146 {dimension_numbers = #tpu.dot_dimension_numbers<[1], [0], [0], [1], [0, 0, 1, 1], [], []>, transpose_lhs_hint = false} : vector<400x128xbf16>, vector<128x2048xbf16>, vector<400x2048xf32> -> vector<400x2048xf32>
    %convert_element_type3A_148 = arith.truncf %dot_general3A_147 : vector<400x2048xf32> to vector<400x2048xbf16>
    %mul3A_149 = arith.mulf %convert_element_type3A_144, %convert_element_type3A_148 : vector<400x2048xbf16>
    %dot_general3A_150 = arith.constant dense<0.000000e+00> : vector<400x128xf32>
    %dot_general3A_151 = tpu.matmul %mul3A_149, %get3A_4, %dot_general3A_150 {dimension_numbers = #tpu.dot_dimension_numbers<[1], [0], [0], [1], [0, 0, 1, 1], [], []>, transpose_lhs_hint = false} : vector<400x2048xbf16>, vector<2048x128xbf16>, vector<400x128xf32> -> vector<400x128xf32>
    %swap3A_152 = arith.constant 1 : index
    %swap3A_153 = arith.constant 0 : index
    %swap3A_154 = arith.constant 0 : index
    %swap3A_155 = vector.load %arg13[%swap3A_152, %swap3A_153, %swap3A_154] : memref<2x400x128xf32, #tpu.memory_space<vmem>>, vector<1x400x128xf32>
    %swap3A_156 = vector.shape_cast %swap3A_155 : vector<1x400x128xf32> to vector<400x128xf32>
    %swap3A_157 = vector.shape_cast %dot_general3A_151 : vector<400x128xf32> to vector<1x400x128xf32>
    tpu.vector_store %arg13[%swap3A_152, %swap3A_153, %swap3A_154], %swap3A_157 {strides = array<i32>} : memref<2x400x128xf32, #tpu.memory_space<vmem>>, vector<1x400x128xf32>,
    return
  }
  func.func @transform_0(%arg0: i32) -> (i32, i32) {
    %c0_i32 = arith.constant 0 : i32
    %c0_i32_0 = arith.constant 0 : i32
    return %arg0, %c0_i32 : i32, i32
  }
  func.func @transform_1(%arg0: i32) -> (i32, i32) {
    %c0_i32 = arith.constant 0 : i32
    %c0_i32_0 = arith.constant 0 : i32
    return %arg0, %c0_i32 : i32, i32
  }
  func.func @transform_2(%arg0: i32) -> (i32, i32) {
    %c0_i32 = arith.constant 0 : i32
    %c0_i32_0 = arith.constant 0 : i32
    return %arg0, %c0_i32 : i32, i32
  }
  func.func @transform_3(%arg0: i32) -> (i32, i32) {
    %c0_i32 = arith.constant 0 : i32
    %c0_i32_0 = arith.constant 0 : i32
    return %arg0, %c0_i32 : i32, i32
  }
  func.func @transform_4(%arg0: i32) -> (i32, i32) {
    %c0_i32 = arith.constant 0 : i32
    %c0_i32_0 = arith.constant 0 : i32
    %c0_i32_1 = arith.constant 0 : i32
    return %c0_i32, %c0_i32_0 : i32, i32
  }
  func.func @transform_5(%arg0: i32) -> (i32, i32) {
    %c0_i32 = arith.constant 0 : i32
    %c0_i32_0 = arith.constant 0 : i32
    %c0_i32_1 = arith.constant 0 : i32
    return %c0_i32, %c0_i32_0 : i32, i32
  }
  func.func @transform_6(%arg0: i32) -> (i32, i32) {
    %c0_i32 = arith.constant 0 : i32
    %c0_i32_0 = arith.constant 0 : i32
    %c0_i32_1 = arith.constant 0 : i32
    return %c0_i32, %c0_i32_0 : i32, i32
  }
  func.func @transform_7(%arg0: i32) -> (i32, i32) {
    %c0_i32 = arith.constant 0 : i32
    %c0_i32_0 = arith.constant 0 : i32
    %c0_i32_1 = arith.constant 0 : i32
    return %c0_i32, %c0_i32_0 : i32, i32
  }
  func.func @transform_8(%arg0: i32) -> (i32, i32) {
    %c0_i32 = arith.constant 0 : i32
    %c0_i32_0 = arith.constant 0 : i32
    %c0_i32_1 = arith.constant 0 : i32
    return %c0_i32, %c0_i32_0 : i32, i32
  }
  func.func @transform_9(%arg0: i32) -> (i32, i32) {
    %c0_i32 = arith.constant 0 : i32
    %c0_i32_0 = arith.constant 0 : i32
    %c0_i32_1 = arith.constant 0 : i32
    return %c0_i32, %c0_i32_0 : i32, i32
  }
  func.func @transform_10(%arg0: i32) -> (i32, i32) {
    %c0_i32 = arith.constant 0 : i32
    %c0_i32_0 = arith.constant 0 : i32
    %c0_i32_1 = arith.constant 0 : i32
    return %c0_i32, %c0_i32_0 : i32, i32
  }
  func.func @transform_11(%arg0: i32) -> (i32, i32) {
    %c0_i32 = arith.constant 0 : i32
    %c0_i32_0 = arith.constant 0 : i32
    %c0_i32_1 = arith.constant 0 : i32
    return %c0_i32, %c0_i32_0 : i32, i32
  }
  func.func @transform_12(%arg0: i32) -> (i32, i32, i32) {
    %c0_i32 = arith.constant 0 : i32
    %c0_i32_0 = arith.constant 0 : i32
    %c0_i32_1 = arith.constant 0 : i32
    return %c0_i32, %arg0, %c0_i32_0 : i32, i32, i32
  }
}

</mosaic_0001>

<sc_bundles>
// kernel: kernel.5.cloned.1.call-start
scs
__scs_entry_jumppad:
0x0: {  	(pc) =	sbr.rel $0x88, $3  }
0x1: {  	(tag) =	ssettag $0x0;
	lr =	simm.s32 $0x1  }
0x2: {  	[smem:$0x3F94] =	sst lr;
	_ =	strace $0xD0000000  }
0x3: {  	_ = 	snop  }
0x4: {  	_ = 	snop  }
0x5: {  	_ = 	snop  }
0x6: {  	_ = 	snop  }
0x7: {  	_ = 	snop  }
__scs_overlays_trampoline_lowered:
0x8: {  	[smem:$0x3FA3] =	sst s0  }
0x9: {  	[smem:$0x3FA4] =	sst s1  }
0xa: {  	[smem:$0x3FA5] =	sst s2  }
0xb: {  	[smem:$0x3FA6] =	sst s3  }
0xc: {  	[smem:$0x3FA7] =	sst s4  }
0xd: {  	[smem:$0x3FA8] =	sst s5  }
0xe: {  	[smem:$0x3FA9] =	sst s6  }
0xf: {  	[smem:$0x3FAA] =	sst s7  }
0x10: {  	[smem:$0x3FAB] =	sst s8  }
0x11: {  	[smem:$0x3FAC] =	sst s9;
	s0 =	simm.s32 @!p0 $0x0  }
0x12: {  	s1 =	sld [smem:$0x3F92];
	s0 =	simm.s32 @p0 $0x1  }
0x13: {  	[smem:$0x3FAD] =	sst s0;
	s0 =	simm.s32 @!p1 $0x0  }
0x14: {  	s2 =	sld [smem:$0x3F91];
	s0 =	simm.s32 @p1 $0x1  }
0x15: {  	[smem:$0x3FAE] =	sst s0;
	s0 =	simm.s32 @!p2 $0x0  }
0x16: {  	s3 =	sld [smem:$0x3FDB];
	s0 =	simm.s32 @p2 $0x1  }
0x17: {  	s4 =	simm.s32 $0x1BF5;
	[smem:$0x3FB0] =	sst s0  }
0x18: {  	s0 =	sld [smem:$0x3F93];
	_ =	swait.ge [sflag:s4], $0x0  }
0x19: {  	s7 =	sld [smem:$0x3F94]  }
0x1a: {  	s8 =	sadd.s32 $0xFFFFE003, lr  }
0x1b: {  	s9 =	sadd.s32 $0xFFFFFEF7, lr;
	s5 =	simm.s32 $0xFFFFFFFF;
	p2 =	slt.u32 s8, $0xFFFFF086  }
0x1c: {  	p1 =	slt.u32 s9, $0xF7A;
	s5 =	simm.s32 @!p2 $0x0  }
0x1d: {  	s5 =	simm.s32 @p1 $0x1;
	p0 =	seq.s32 s7, s2  }
0x1e: {  	s7 =	smul.u32 @!p0 $0xF7A, s2;
	p2 =	seq.s32 @!p0 s5, $0x0  }
0x1f: {  	s9 =	smul.u32 $0xF7A, s1;
	s8 =	simm.s32 @!p0 $0x1BF5;
	p2 =	por !p2, p0  }
0x20: {  	[sflag:s8] =	ssyncset.s32 @!p0 $0xFFFFF086;
	s6 =	sadd.s32 @!p0 s3, s7;
	s7 =	simm.s32 @!p0 $0x108  }
0x21: {  	s3 =	sadd.s32 s3, s9;
	s6 =	sadd.s32 @!p0 $0x88, s6;
	s7 =	simm.s32 @p2 $0x1082  }
0x22: {  	[simem:s7], [sflag:s8] =	dma.local @!p0 [hbm:s6], $0xF7A  }
0x23: {  	s9 =	sor.u32 $0xD0000000, s2;
	s6 =	simm.s32 $0x108;
	_ =	swait.ge @!p0 [sflag:s8], $0x0  }
0x24: {  	s3 =	sadd.s32 $0x88, s3;
	s6 =	simm.s32 @!p1 $0x1082;
	[sflag:s4] =	ssyncset.s32 $0xFFFFF086  }
0x25: {  	[simem:s6], [sflag:s4] =	dma.local [hbm:s3], $0xF7A  }
0x26: {  	[smem:$0x3F94] =	sst s1;
	(tag) =	ssettag s2;
	_ =	strace s9  }
0x27: {  	s1 =	sld [smem:$0x3FA4]  }
0x28: {  	s2 =	sld [smem:$0x3FA5]  }
0x29: {  	s4 =	sld [smem:$0x3FA7]  }
0x2a: {  	p0 =	seq.s32 s5, $0x0;
	s5 =	sld [smem:$0x3FA8]  }
0x2b: {  	s6 =	sld [smem:$0x3FA9]  }
0x2c: {  	s7 =	sld [smem:$0x3FAA]  }
0x2d: {  	s3 =	simm.s32 $0x108;
	s8 =	sld [smem:$0x3FAB]  }
0x2e: {  	s3 =	simm.s32 @!p0 $0x1082;
	s9 =	sld [smem:$0x3FAC]  }
0x2f: {  	lr =	sadd.s32 s0, s3;
	s0 =	sld [smem:$0x3FA3]  }
0x30: {  	s3 =	sld [smem:$0x3FA6]  }
0x31: {  	[smem:$0x3FAF] =	sst s10  }
0x32: {  	s10 =	sld [smem:$0x3FAD];
	_ =	sdelay $0x3  }
0x33: {  	p0 =	seq.s32 s10, $0x1;
	s10 =	sld [smem:$0x3FAF];
	_ =	sdelay $0x3  }
0x34: {  	[smem:$0x3FAF] =	sst s10  }
0x35: {  	s10 =	sld [smem:$0x3FAE];
	_ =	sdelay $0x3  }
0x36: {  	p1 =	seq.s32 s10, $0x1;
	s10 =	sld [smem:$0x3FAF];
	_ =	sdelay $0x3  }
0x37: {  	[smem:$0x3FAF] =	sst s10  }
0x38: {  	s10 =	sld [smem:$0x3FB0]  }
0x39: {  	_ = 	snop;
	(pc) =	sbr.ind lr, $3  }
0x3a: {  	_ = 	snop  }
0x3b: {  	_ = 	snop  }
0x3c: {  	p2 =	seq.s32 s10, $0x1;
	s10 =	sld [smem:$0x3FAF]  }
0x3d: {  	_ =	shalt  }
0x3e: {  	_ =	shalt  }
0x3f: {  	_ =	shalt  }
0x40: {  	_ =	shalt  }
0x41: {  	_ =	shalt  }
0x42: {  	_ =	shalt  }
0x43: {  	_ =	shalt  }
0x44: {  	_ =	shalt  }
0x45: {  	_ =	shalt  }
0x46: {  	_ =	shalt  }
0x47: {  	_ =	shalt  }
0x48: {  	_ =	shalt  }
0x49: {  	_ =	shalt  }
0x4a: {  	_ =	shalt  }
0x4b: {  	_ =	shalt  }
0x4c: {  	_ =	shalt  }
0x4d: {  	_ =	shalt  }
0x4e: {  	_ =	shalt  }
0x4f: {  	_ =	shalt  }
0x50: {  	_ =	shalt  }
0x51: {  	_ =	shalt  }
0x52: {  	_ =	shalt  }
0x53: {  	_ =	shalt  }
0x54: {  	_ =	shalt  }
0x55: {  	_ =	shalt  }
0x56: {  	_ =	shalt  }
0x57: {  	_ =	shalt  }
0x58: {  	_ =	shalt  }
0x59: {  	_ =	shalt  }
0x5a: {  	_ =	shalt  }
0x5b: {  	_ =	shalt  }
0x5c: {  	_ =	shalt  }
0x5d: {  	_ =	shalt  }
0x5e: {  	_ =	shalt  }
0x5f: {  	_ =	shalt  }
0x60: {  	_ =	shalt  }
0x61: {  	_ =	shalt  }
0x62: {  	_ =	shalt  }
0x63: {  	_ =	shalt  }
0x64: {  	_ =	shalt  }
0x65: {  	_ =	shalt  }
0x66: {  	_ =	shalt  }
0x67: {  	_ =	shalt  }
0x68: {  	_ =	shalt  }
0x69: {  	_ =	shalt  }
0x6a: {  	_ =	shalt  }
0x6b: {  	_ =	shalt  }
0x6c: {  	_ =	shalt  }
0x6d: {  	_ =	shalt  }
0x6e: {  	_ =	shalt  }
0x6f: {  	_ =	shalt  }
0x70: {  	_ =	shalt  }
0x71: {  	_ =	shalt  }
0x72: {  	_ =	shalt  }
0x73: {  	_ =	shalt  }
0x74: {  	_ =	shalt  }
0x75: {  	_ =	shalt  }
0x76: {  	_ =	shalt  }
0x77: {  	_ =	shalt  }
0x78: {  	_ =	shalt  }
0x79: {  	_ =	shalt  }
0x7a: {  	_ =	shalt  }
0x7b: {  	_ =	shalt  }
0x7c: {  	_ =	shalt  }
0x7d: {  	_ =	shalt  }
0x7e: {  	_ =	shalt  }
0x7f: {  	_ =	shalt  }
0x80: {  	_ =	shalt  }
0x81: {  	_ =	shalt  }
0x82: {  	_ =	shalt  }
0x83: {  	_ =	shalt  }
0x84: {  	_ =	shalt  }
0x85: {  	_ =	shalt  }
0x86: {  	_ =	shalt  }
0x87: {  	_ =	shalt  }
.Lfunc_end0:
.L_simem_size_0:
called_computation_lowered:
.L_overlay_start_0:
0x88: {  	s2 =	sld [smem:$0x3FD9]  }
0x89: {  	s3 =	sld [smem:$0x3FFE];
	_ =	sdelay $0x1  }
0x8a: {  	s1 =	srdreg.scid  }
0x8b: {  	s0 =	sand.u32 $0x1, s1  }
0x8c: {  	s14 =	sshll.u32 s0, $0xA;
	s2 =	sadd.s32 s3, s2  }
0x8d: {  	s2 =	sadd.s32 s2, s14  }
0x8e: {  	[smem:$0x3FBB] =	sst s2  }
0x8f: {  	_ = 	snop  }
0x90: {  	s2 =	sld [smem:$0x3FC7]  }
0x91: {  	s15 =	sld [smem:$0x3FC6]  }
0x92: {  	s4 =	sld [smem:$0x3FD0]  }
0x93: {  	s5 =	sld [smem:$0x3FC5]  }
0x94: {  	s6 =	sld [smem:$0x3FC4]  }
0x95: {  	s8 =	simm.s32 $0xA;
	s9 =	simm.s32 $0x10;
	s7 =	sld [smem:$0x3FC3]  }
0x96: {  	[smem:s9], [sflag:s8] =	dma.local [hbm:s4], $0x1  }
0x97: {  	_ =	swait.eq [sflag:s8], $0x1  }
0x98: {  	[sflag:s8] =	ssyncset.done $0x0  }
0x99: {  	s16 =	sld [smem:$0x10];
	[sflag:s8] =	ssyncadd.s32 $0xFFFFFFFF  }
0x9a: {  	s17 =	sld [smem:$0x11];
	(tm) =	ssettm $0x1  }
0x9b: {  	s18 =	sld [smem:$0x3FFB];
	_ =	sdelay $0x3  }
0x9c: {  	_ =	strace s18  }
0x9d: {  	s9 =	sld [smem:$0x3FFC];
	_ =	sdelay $0x3  }
0x9e: {  	_ =	strace s9  }
0x9f: {  	s9 =	sld [smem:$0x3FFD];
	_ =	sdelay $0x3  }
0xa0: {  	_ =	strace s9  }
0xa1: {  	_ =	strace $0x8FFFFFFF  }
0xa2: {  	s19 =	sld [smem:$0x3FDB];
	_ =	sdelay $0x1  }
0xa3: {  	s10 =	simm.s32 $_scs_section_size  }
0xa4: {  	s11 =	simm.s32 $_size__tile_overlayer_lowered;
	s12 =	simm.s32 $_tile_overlayer_lowered  }
0xa5: {  	s22 =	simm.s32 $0x1BFF;
	s21 =	sshll.u32 s12, $0x1;
	s9 =	sadd.s32 s10, s19  }
0xa6: {  	s13 =	simm.s32 $0x0;
	s20 =	sshll.u32 s11, $0x1;
	s11 =	sadd.s32 s21, s9  }
0xa7: {  	[timem:s13], [sflag:s22] =	dma.local [hbm:s11], s20  }
0xa8: {  	_ =	swait.ge [sflag:s22], s20  }
0xa9: {  	s10 =	ssub.s32 $0x0, s20;
	[sflag:s22] =	ssyncset.done $0x0  }
0xaa: {  	[sflag:s22] =	ssyncadd.s32 s10;
	_ =	sdelay $0x1  }
0xab: {  	s23 =	simm.s32 $0x1B8B  }
0xac: {  	_ =	swait.ge [sflag:s23], $0x1  }
0xad: {  	[sflag:s23] =	ssyncset.done $0x0  }
0xae: {  	s25 =	simm.s32 $0x1B8E;
	s24 =	sld [smem:$0x3FFE];
	[sflag:s23] =	ssyncadd.s32 $0xFFFFFFFF  }
0xaf: {  	s26 =	simm.s32 $execute0_lowered;
	[smem:$0x3FD2] =	sst s25  }
0xb0: {  	s11 =	sshll.u32 s26, $0x1;
	_ =	strace $0x80000046;
	[dreg:$0x1] =	wrdreg $0xFFFFFFFF  }
0xb1: {  	s28 =	simm.s32 $_size_execute0_lowered;
	s9 =	sadd.s32 s9, s11;
	[dreg:$0x0] =	wrdreg $0x0  }
0xb2: {  	s11 =	sshll.u32 s28, $0x1;
	[dreg:$0x2] =	wrdreg s9  }
0xb3: {  	[dreg:$0x3] =	wrdreg s11  }
0xb4: {  	[dreg:$0x4] =	wrdreg $0xC0  }
0xb5: {  	_ =	task [dreg:s13], $0x5FFFF  }
0xb6: {  	[dreg:$0x1] =	wrdreg $0xFFFFFFFF  }
0xb7: {  	[dreg:$0x0] =	wrdreg $0x60  }
0xb8: {  	[dreg:$0x2] =	wrdreg s17  }
0xb9: {  	[dreg:$0x3] =	wrdreg s16  }
0xba: {  	[dreg:$0x4] =	wrdreg s6  }
0xbb: {  	[dreg:$0x5] =	wrdreg s7  }
0xbc: {  	[dreg:$0x6] =	wrdreg s2  }
0xbd: {  	[dreg:$0x7] =	wrdreg s15  }
0xbe: {  	[dreg:$0x8] =	wrdreg s5  }
0xbf: {  	[dreg:$0x9] =	wrdreg s24  }
0xc0: {  	[dreg:$0xa] =	wrdreg $0x9  }
0xc1: {  	_ =	task.clear_ibuf [dreg:s13], $0xBFFFF;
	_ =	strace $0x90000046  }
0xc2: {  	s29 =	simm.s32 $0x9;
	_ =	strace $0x80000048  }
0xc3: {  	_ =	swait.ge [sflag:s29], $0x1  }
0xc4: {  	[sflag:s29] =	ssyncadd.s32 $0xFFFFFFFF  }
0xc5: {  	_ =	strace $0x90000048  }
0xc6: {  	_ =	sfence  }
0xc7: {  	s30 =	sld [smem:$0x0];
	_ =	sdelay $0x2  }
0xc8: {  	s31 =	sshll.u32 s1, $0xD;
	s1 =	sshrl.u32 s1, $0x2  }
0xc9: {  	s3 =	sand.u32 $0x4000, s31;
	s1 =	sadd.s32 s1, s30  }
0xca: {  	s0 =	sor.u32 s3, s0;
	s1 =	sshll.u32 s1, $0x11  }
0xcb: {  	s0 =	sor.u32 s1, s0  }
0xcc: {  	s0 =	sadd.s32 $0x8F2B, s0  }
0xcd: {  	[sflag:s0] =	ssyncadd.remote.s32 $0x1  }
0xce: {  	_ =	sfence.sel $0xFFFF  }
0xcf: {  	[dreg:$0x0] =	wrdreg $0xFFFFFFFF;
	(pc) =	sbr.abs _section_cstart, $3  }
0xd0: {  	[dreg:$0x1] =	wrdreg $0xFFFFFFFF  }
0xd1: {  	_ =	task.clear_ibuf [dreg:s13], $0x2FFFF;
	_ =	strace $0x9FFFFFFF  }
0xd2: {  	(tm) =	ssettm $0x7FFFFFFF  }
0xd3: {  	_ =	shalt  }
tec
execute0_lowered:
.L_overlay_start_1:
0x0: {  	(tag) =	ssettag $0x1  }
0x1: {  	s0 =	rddreg [dreg:$0x0]  }
0x2: {  	s1 =	rddreg [dreg:$0x1]  }
0x3: {  	s4 =	rddreg [dreg:$0x3]  }
0x4: {  	s2 =	rddreg [dreg:$0x4]  }
0x5: {  	s5 =	rddreg [dreg:$0x5]  }
0x6: {  	s9 =	rddreg [dreg:$0x6]  }
0x7: {  	s7 =	rddreg [dreg:$0x7];
	s6 =	simm.s32 $0x0  }
0x8: {  	s8 =	srdreg.scid;
	s3 =	stileid.u32;
	s17 =	simm.s32 $0x2710  }
0x9: {  	s18 =	simm.s32 $0x4E20;
	s19 =	simm.s32 $0x4EA0;
	s20 =	simm.s32 $0x5F20  }
0xa: {  	s21 =	simm.s32 $0x1;
	s22 =	simm.s32 $0x80;
	s28 =	simm.s32 $0x6020  }
0xb: {  	s29 =	simm.s32 $0x0;
	[smem:$0x7FF] =	sst s6;
	s12 =	sand.u32 $0x1, s8  }
0xc: {  	s23 =	sshll.u32 s3, $0x9;
	s13 =	sshll.u32 s3, $0x5;
	_ =	strace $0x80000047  }
0xd: {  	s10 =	ssub.s32 $0x2, s12;
	s14 =	sadd.s32 s23, s7;
	s11 =	sadd.s32 s13, s7  }
0xe: {  	s7 =	sshll.u32 s3, $0x1;
	s15 =	sshll.u32 s12, $0x4;
	s30 =	sadd.s32 s13, s9  }
0xf: {  	s5 =	sadd.s32 s13, s5;
	s2 =	sadd.s32 s13, s2;
	s16 =	sshll.u32 s12, $0x8  }
0x10: {  	s23 =	simm.s32 $0x4F20;
	s24 =	sshrl.u32 s10, $0x1;
	s26 =	sadd.s32 s15, s11  }
.Ltmp0:
0x11: {  	s11 =	sadd.s32 s15, s30;
	s12 =	sadd.s32 s15, s5;
	(pc) =	sbr.rel .LBB2_1-.Ltmp0, $4  }
0x12: {  	s13 =	sadd.s32 s15, s2;
	s31 =	sadd.s32 s16, s14;
	s16 =	simm.s32 $0x3  }
0x13: {  	s25 =	ssub.s32 s10, s24;
	s9 =	sadd.s32 $0x7E00, s26;
	s10 =	sadd.s32 $0x2E00, s26  }
0x14: {  	s2 =	sadd.s32 $0x5B000, s31;
	s15 =	sadd.s32 $0xCE00, s31;
	s24 =	simm.s32 $0x5720  }
0x15: {  	s26 =	simm.s32 $0x5FA0;
	s8 =	smax.u32 s25, $0x1;
	s25 =	simm.s32 $0x2  }
.LBB2_5:
0x16: {  	s29 =	sadd.s32 $0x1, s29  }
0x17: {  	p0 =	sne.s32 s29, s8  }
.Ltmp1:
0x18: {  	_ = 	snop;
	(pc) =	sbr.rel @!p0 .LBB2_6-.Ltmp1, $1  }
0x19: {  	_ =	sdelay $0x3  }
.LBB2_1:
0x1a: {  	s3 =	rddreg [dreg:$0x2]  }
0x1b: {  	[tilespmem:s6], [sflag:$0x3] =	stream.linear.gather [hbm4b:s3+s6], $0x2710, $0x38;
	[tilespmem:$0x60A0] =	vst v63  }
0x1c: {  	_ =	swait.ge [sflag:s16], $0x2710  }
0x1d: {  	[sflag:s16] =	ssyncset.done $0x0  }
.Ltmp2:
0x1e: {  	[sflag:s16] =	ssyncadd.s32 $0xFFFFD8F0;
	(pc) =	sbr.rel .LBB2_2-.Ltmp2, $4  }
0x1f: {  	[tilespmem:s17], [sflag:$0x3] =	stream.linear.gather [hbm4b:s4+s6], $0x2710, $0x38;
	[tilespmem:$0x60A0] =	vst v63  }
0x20: {  	_ =	swait.ge [sflag:s16], $0x2710  }
0x21: {  	s30 =	smov.u32 s7;
	s31 =	smov.u32 s15;
	[sflag:s16] =	ssyncset.done $0x0  }
0x22: {  	s14 =	smov.u32 s2;
	s5 =	simm.s32 $0x0;
	[sflag:s16] =	ssyncadd.s32 $0xFFFFD8F0  }
.LBB2_4:
0x23: {  	s5 =	sadd.s32 $0x200, s5  }
0x24: {  	p0 =	sne.s32 s5, $0x5000  }
.Ltmp3:
0x25: {  	_ = 	snop;
	(pc) =	sbr.rel @!p0 .LBB2_5-.Ltmp3, $2  }
0x26: {  	_ =	sdelay $0x2  }
0x27: {  	s14 =	sadd.s32 $0x2000, s14;
	s31 =	sadd.s32 $0x2000, s31;
	s30 =	sadd.s32 $0x20, s30  }
.LBB2_2:
0x28: {  	p0 =	sgt.u32 s30, $0x4E1  }
.Ltmp4:
0x29: {  	_ = 	snop;
	(pc) =	sbr.rel @p0 .LBB2_4-.Ltmp4, $1  }
0x2a: {  	_ =	sdelay $0x3  }
0x2b: {  	s3 =	sadd.s32 s5, s13  }
0x2c: {  	[tilespmem:s18], [sflag:$0x1] =	stream.linear.gather [hbm4b:s3+s6], $0x80, $0x38;
	[tilespmem:$0x60A0] =	vst v63  }
0x2d: {  	s3 =	sadd.s32 s5, s12  }
0x2e: {  	[tilespmem:s19], [sflag:$0x1] =	stream.linear.gather [hbm4b:s3+s6], $0x80, $0x38;
	[tilespmem:$0x60A0] =	vst v63  }
0x2f: {  	s3 =	sadd.s32 s5, s11  }
0x30: {  	[tilespmem:s20], [sflag:$0x1] =	stream.linear.gather [hbm4b:s3+s6], $0x80, $0x38;
	[tilespmem:$0x60A0] =	vst v63  }
0x31: {  	_ =	swait.ge [sflag:s21], $0x80  }
0x32: {  	[sflag:s21] =	ssyncset.done $0x0  }
0x33: {  	[sflag:s21] =	ssyncadd.s32 $0xFFFFFF80  }
0x34: {  	_ =	swait.ge [sflag:s21], $0x80  }
0x35: {  	[sflag:s21] =	ssyncset.done $0x0  }
0x36: {  	[sflag:s21] =	ssyncadd.s32 $0xFFFFFF80  }
0x37: {  	_ =	swait.ge [sflag:s21], $0x80  }
0x38: {  	[sflag:s21] =	ssyncset.done $0x0  }
0x39: {  	[sflag:s21] =	ssyncadd.s32 $0xFFFFFF80  }
0x3a: {  	[tilespmem:s23], [sflag:$0x1] =	stream.indirect.gather [hbm4b:s0+s22], $0x10, s18, s22, $0xb8;
	[tilespmem:$0x60A0] =	vst v63  }
0x3b: {  	_ = 	snop  }
0x3c: {  	[tilespmem:s24], [sflag:$0x2] =	stream.indirect.gather [hbm4b:s1+s22], $0x10, s19, s22, $0xb8;
	[tilespmem:$0x60A0] =	vst v63  }
0x3d: {  	v0 =	vld [tilespmem:$0x4E20];
	_ =	sdelay $0x5  }
0x3e: {  	v1 =	vld [tilespmem:$0x5F20]  }
0x3f: {  	v2 =	vld [tilespmem:$0x4EA0]  }
0x40: {  	v0 =	vld.idx.msk [tilespmem:v0+s6+$0x0], $0xffff;
	_ =	sdelay $0x4  }
0x41: {  	v0 =	vsub.f32 v0, v1;
	_ =	sdelay $0x1  }
0x42: {  	v36 =	vld [tilespmem:$0x4E30];
	[tilespmem:$0x5FA0] =	vst v0  }
0x43: {  	v0 =	vld.idx.msk [tilespmem:v2+s17+$0x0], $0xffff;
	_ =	sdelay $0x4  }
0x44: {  	v0 =	vsub.f32 v0, v1  }
0x45: {  	v37 =	vld [tilespmem:$0x5F30]  }
0x46: {  	v39 =	vld [tilespmem:$0x4EB0];
	[tilespmem:$0x6020] =	vst v0  }
0x47: {  	v38 =	vld.idx.msk [tilespmem:v36+s6+$0x0], $0xffff;
	_ =	sdelay $0x4  }
0x48: {  	v1 =	vsub.f32 v38, v37;
	_ =	sdelay $0x1  }
0x49: {  	v40 =	vld [tilespmem:$0x4E40];
	[tilespmem:$0x5FB0] =	vst v1  }
0x4a: {  	v1 =	vld.idx.msk [tilespmem:v39+s17+$0x0], $0xffff;
	_ =	sdelay $0x4  }
0x4b: {  	v0 =	vsub.f32 v1, v37  }
0x4c: {  	v41 =	vld [tilespmem:$0x5F40]  }
0x4d: {  	v43 =	vld [tilespmem:$0x4EC0];
	[tilespmem:$0x6030] =	vst v0  }
0x4e: {  	v42 =	vld.idx.msk [tilespmem:v40+s6+$0x0], $0xffff;
	_ =	sdelay $0x4  }
0x4f: {  	v1 =	vsub.f32 v42, v41;
	_ =	sdelay $0x1  }
0x50: {  	v44 =	vld [tilespmem:$0x4E50];
	[tilespmem:$0x5FC0] =	vst v1  }
0x51: {  	v1 =	vld.idx.msk [tilespmem:v43+s17+$0x0], $0xffff;
	_ =	sdelay $0x4  }
0x52: {  	v0 =	vsub.f32 v1, v41  }
0x53: {  	v45 =	vld [tilespmem:$0x5F50]  }
0x54: {  	v47 =	vld [tilespmem:$0x4ED0];
	[tilespmem:$0x6040] =	vst v0  }
0x55: {  	v46 =	vld.idx.msk [tilespmem:v44+s6+$0x0], $0xffff;
	_ =	sdelay $0x4  }
0x56: {  	v1 =	vsub.f32 v46, v45;
	_ =	sdelay $0x1  }
0x57: {  	v48 =	vld [tilespmem:$0x4E60];
	[tilespmem:$0x5FD0] =	vst v1  }
0x58: {  	v1 =	vld.idx.msk [tilespmem:v47+s17+$0x0], $0xffff;
	_ =	sdelay $0x4  }
0x59: {  	v0 =	vsub.f32 v1, v45  }
0x5a: {  	v49 =	vld [tilespmem:$0x5F60]  }
0x5b: {  	v51 =	vld [tilespmem:$0x4EE0];
	[tilespmem:$0x6050] =	vst v0  }
0x5c: {  	v50 =	vld.idx.msk [tilespmem:v48+s6+$0x0], $0xffff;
	_ =	sdelay $0x4  }
0x5d: {  	v1 =	vsub.f32 v50, v49;
	_ =	sdelay $0x1  }
0x5e: {  	v52 =	vld [tilespmem:$0x4E70];
	[tilespmem:$0x5FE0] =	vst v1  }
0x5f: {  	v1 =	vld.idx.msk [tilespmem:v51+s17+$0x0], $0xffff;
	_ =	sdelay $0x4  }
0x60: {  	v0 =	vsub.f32 v1, v49  }
0x61: {  	v53 =	vld [tilespmem:$0x5F70]  }
0x62: {  	v55 =	vld [tilespmem:$0x4EF0];
	[tilespmem:$0x6060] =	vst v0  }
0x63: {  	v54 =	vld.idx.msk [tilespmem:v52+s6+$0x0], $0xffff;
	_ =	sdelay $0x4  }
0x64: {  	v1 =	vsub.f32 v54, v53;
	_ =	sdelay $0x1  }
0x65: {  	v56 =	vld [tilespmem:$0x4E80];
	[tilespmem:$0x5FF0] =	vst v1  }
0x66: {  	v1 =	vld.idx.msk [tilespmem:v55+s17+$0x0], $0xffff;
	_ =	sdelay $0x4  }
0x67: {  	v0 =	vsub.f32 v1, v53  }
0x68: {  	v57 =	vld [tilespmem:$0x5F80]  }
0x69: {  	v59 =	vld [tilespmem:$0x4F00];
	[tilespmem:$0x6070] =	vst v0  }
0x6a: {  	v58 =	vld.idx.msk [tilespmem:v56+s6+$0x0], $0xffff;
	_ =	sdelay $0x4  }
0x6b: {  	v1 =	vsub.f32 v58, v57;
	_ =	sdelay $0x1  }
0x6c: {  	v60 =	vld [tilespmem:$0x4E90];
	[tilespmem:$0x6000] =	vst v1  }
0x6d: {  	v1 =	vld.idx.msk [tilespmem:v59+s17+$0x0], $0xffff;
	_ =	sdelay $0x4  }
0x6e: {  	v0 =	vsub.f32 v1, v57  }
0x6f: {  	v61 =	vld [tilespmem:$0x5F90]  }
0x70: {  	v63 =	vld [tilespmem:$0x4F10];
	[tilespmem:$0x6080] =	vst v0  }
0x71: {  	v62 =	vld.idx.msk [tilespmem:v60+s6+$0x0], $0xffff;
	_ =	sdelay $0x4  }
0x72: {  	v1 =	vsub.f32 v62, v61;
	_ =	sdelay $0x1  }
0x73: {  	[tilespmem:$0x6010] =	vst v1  }
0x74: {  	v1 =	vld.idx.msk [tilespmem:v63+s17+$0x0], $0xffff;
	_ =	sdelay $0x4  }
0x75: {  	v0 =	vsub.f32 v1, v61;
	_ =	sdelay $0x1  }
0x76: {  	[tilespmem:$0x6090] =	vst v0  }
0x77: {  	_ =	swait.ge [sflag:s21], $0x800  }
0x78: {  	[sflag:s21] =	ssyncset.done $0x0  }
0x79: {  	[sflag:s21] =	ssyncadd.s32 $0xFFFFF800  }
0x7a: {  	_ =	swait.ge [sflag:s25], $0x800  }
0x7b: {  	[sflag:s25] =	ssyncset.done $0x0  }
0x7c: {  	[sflag:s25] =	ssyncadd.s32 $0xFFFFF800  }
0x7d: {  	[hbm4b:s31+s6] =	stream.linear.scatter [tilespmem:s23], [sflag:$0x1], $0x800, $0x38;
	[tilespmem:$0x60A0] =	vst v63  }
0x7e: {  	_ = 	snop  }
0x7f: {  	[hbm4b:s14+s6] =	stream.linear.scatter [tilespmem:s24], [sflag:$0x1], $0x800, $0x38;
	[tilespmem:$0x60A0] =	vst v63  }
0x80: {  	s3 =	sadd.s32 s5, s10  }
0x81: {  	[hbm4b:s3+s6] =	stream.linear.scatter [tilespmem:s26], [sflag:$0x2], $0x80, $0x38;
	[tilespmem:$0x60A0] =	vst v63  }
0x82: {  	s3 =	sadd.s32 s5, s9  }
0x83: {  	[hbm4b:s3+s6] =	stream.linear.scatter [tilespmem:s28], [sflag:$0x2], $0x80, $0x38;
	[tilespmem:$0x60A0] =	vst v63  }
0x84: {  	_ =	swait.ge [sflag:s21], $0x800  }
0x85: {  	[sflag:s21] =	ssyncset.done $0x0  }
0x86: {  	[sflag:s21] =	ssyncadd.s32 $0xFFFFF800  }
0x87: {  	_ =	swait.ge [sflag:s21], $0x800  }
0x88: {  	[sflag:s21] =	ssyncset.done $0x0  }
0x89: {  	[sflag:s21] =	ssyncadd.s32 $0xFFFFF800  }
0x8a: {  	_ =	swait.ge [sflag:s25], $0x80  }
.Ltmp5:
0x8b: {  	[sflag:s25] =	ssyncset.done $0x0;
	(pc) =	sbr.rel .LBB2_4-.Ltmp5, $4  }
0x8c: {  	[sflag:s25] =	ssyncadd.s32 $0xFFFFFF80  }
0x8d: {  	_ =	swait.ge [sflag:s25], $0x80  }
0x8e: {  	[sflag:s25] =	ssyncset.done $0x0  }
0x8f: {  	[sflag:s25] =	ssyncadd.s32 $0xFFFFFF80  }
.LBB2_6:
0x90: {  	_ =	sfence.sel $0x180000  }
0x91: {  	[bflag:$0x0] =	sbarrier.arrive $0xFFFF  }
0x92: {  	_ =	strace $0x90000047  }
0x93: {  	s0 =	stileid.u32;
	[bflag:$0x2] =	sbarrier.arrive $0xFFFF  }
0x94: {  	p0 =	sne.s32 s0, $0x0;
	s0 =	rddreg [dreg:$0x8]  }
0x95: {  	s0 =	sadd.s32 @!p0 $0x100000, s0  }
0x96: {  	[sflag:s0] =	ssyncadd.tile.s32 @!p0 $0x1;
	_ =	shalt  }
.Lfunc_end2:
_tile_overlayer_lowered:
.L_overlay_start_2:
0x97: {  	(tag) =	ssettag $0x2  }
0x98: {  	s0 =	rddreg [dreg:$0x0];
	s2 =	stileid.u32  }
0x99: {  	s1 =	rddreg [dreg:$0x1];
	p0 =	sne.s32 s2, $0x0  }
0x9a: {  	s3 =	rddreg [dreg:$0x2];
	[bflag:$0x3] =	sbarrier.arrive $0xFFFF;
	s2 =	simm.s32 @!p0 $0x1C03  }
0x9b: {  	[timem:s3], [sflag:s2] =	dma.local @!p0 [hbm:s0], s1  }
0x9c: {  	s0 =	simm.s32 @!p0 $0x3  }
0x9d: {  	_ =	swait.ge @!p0 [sflag:s0], s1  }
0x9e: {  	s1 =	ssub.s32 @!p0 $0x0, s1;
	[sflag:s0] =	ssyncset.done @!p0 $0x0  }
0x9f: {  	[sflag:s0] =	ssyncadd.s32 @!p0 s1  }
0xa0: {  	[bflag:$0x3] =	sbarrier.arrive $0xFFFF  }
0xa1: {  	_ =	shalt  }

// kernel: kernel.8.cloned.1.call-start
scs
__scs_entry_jumppad:
0x0: {  	(pc) =	sbr.rel $0x88, $3  }
0x1: {  	(tag) =	ssettag $0x0;
	lr =	simm.s32 $0x1  }
0x2: {  	[smem:$0x3F94] =	sst lr;
	_ =	strace $0xD0000000  }
0x3: {  	_ = 	snop  }
0x4: {  	_ = 	snop  }
0x5: {  	_ = 	snop  }
0x6: {  	_ = 	snop  }
0x7: {  	_ = 	snop  }
__scs_overlays_trampoline_lowered:
0x8: {  	[smem:$0x3FA3] =	sst s0  }
0x9: {  	[smem:$0x3FA4] =	sst s1  }
0xa: {  	[smem:$0x3FA5] =	sst s2  }
0xb: {  	[smem:$0x3FA6] =	sst s3  }
0xc: {  	[smem:$0x3FA7] =	sst s4  }
0xd: {  	[smem:$0x3FA8] =	sst s5  }
0xe: {  	[smem:$0x3FA9] =	sst s6  }
0xf: {  	[smem:$0x3FAA] =	sst s7  }
0x10: {  	[smem:$0x3FAB] =	sst s8  }
0x11: {  	[smem:$0x3FAC] =	sst s9;
	s0 =	simm.s32 @!p0 $0x0  }
0x12: {  	s1 =	sld [smem:$0x3F92];
	s0 =	simm.s32 @p0 $0x1  }
0x13: {  	[smem:$0x3FAD] =	sst s0;
	s0 =	simm.s32 @!p1 $0x0  }
0x14: {  	s2 =	sld [smem:$0x3F91];
	s0 =	simm.s32 @p1 $0x1  }
0x15: {  	[smem:$0x3FAE] =	sst s0;
	s0 =	simm.s32 @!p2 $0x0  }
0x16: {  	s3 =	sld [smem:$0x3FDB];
	s0 =	simm.s32 @p2 $0x1  }
0x17: {  	s4 =	simm.s32 $0x1BF5;
	[smem:$0x3FB0] =	sst s0  }
0x18: {  	s0 =	sld [smem:$0x3F93];
	_ =	swait.ge [sflag:s4], $0x0  }
0x19: {  	s7 =	sld [smem:$0x3F94]  }
0x1a: {  	s8 =	sadd.s32 $0xFFFFE003, lr  }
0x1b: {  	s9 =	sadd.s32 $0xFFFFFEF7, lr;
	s5 =	simm.s32 $0xFFFFFFFF;
	p2 =	slt.u32 s8, $0xFFFFF086  }
0x1c: {  	p1 =	slt.u32 s9, $0xF7A;
	s5 =	simm.s32 @!p2 $0x0  }
0x1d: {  	s5 =	simm.s32 @p1 $0x1;
	p0 =	seq.s32 s7, s2  }
0x1e: {  	s7 =	smul.u32 @!p0 $0xF7A, s2;
	p2 =	seq.s32 @!p0 s5, $0x0  }
0x1f: {  	s9 =	smul.u32 $0xF7A, s1;
	s8 =	simm.s32 @!p0 $0x1BF5;
	p2 =	por !p2, p0  }
0x20: {  	[sflag:s8] =	ssyncset.s32 @!p0 $0xFFFFF086;
	s6 =	sadd.s32 @!p0 s3, s7;
	s7 =	simm.s32 @!p0 $0x108  }
0x21: {  	s3 =	sadd.s32 s3, s9;
	s6 =	sadd.s32 @!p0 $0x88, s6;
	s7 =	simm.s32 @p2 $0x1082  }
0x22: {  	[simem:s7], [sflag:s8] =	dma.local @!p0 [hbm:s6], $0xF7A  }
0x23: {  	s9 =	sor.u32 $0xD0000000, s2;
	s6 =	simm.s32 $0x108;
	_ =	swait.ge @!p0 [sflag:s8], $0x0  }
0x24: {  	s3 =	sadd.s32 $0x88, s3;
	s6 =	simm.s32 @!p1 $0x1082;
	[sflag:s4] =	ssyncset.s32 $0xFFFFF086  }
0x25: {  	[simem:s6], [sflag:s4] =	dma.local [hbm:s3], $0xF7A  }
0x26: {  	[smem:$0x3F94] =	sst s1;
	(tag) =	ssettag s2;
	_ =	strace s9  }
0x27: {  	s1 =	sld [smem:$0x3FA4]  }
0x28: {  	s2 =	sld [smem:$0x3FA5]  }
0x29: {  	s4 =	sld [smem:$0x3FA7]  }
0x2a: {  	p0 =	seq.s32 s5, $0x0;
	s5 =	sld [smem:$0x3FA8]  }
0x2b: {  	s6 =	sld [smem:$0x3FA9]  }
0x2c: {  	s7 =	sld [smem:$0x3FAA]  }
0x2d: {  	s3 =	simm.s32 $0x108;
	s8 =	sld [smem:$0x3FAB]  }
0x2e: {  	s3 =	simm.s32 @!p0 $0x1082;
	s9 =	sld [smem:$0x3FAC]  }
0x2f: {  	lr =	sadd.s32 s0, s3;
	s0 =	sld [smem:$0x3FA3]  }
0x30: {  	s3 =	sld [smem:$0x3FA6]  }
0x31: {  	[smem:$0x3FAF] =	sst s10  }
0x32: {  	s10 =	sld [smem:$0x3FAD];
	_ =	sdelay $0x3  }
0x33: {  	p0 =	seq.s32 s10, $0x1;
	s10 =	sld [smem:$0x3FAF];
	_ =	sdelay $0x3  }
0x34: {  	[smem:$0x3FAF] =	sst s10  }
0x35: {  	s10 =	sld [smem:$0x3FAE];
	_ =	sdelay $0x3  }
0x36: {  	p1 =	seq.s32 s10, $0x1;
	s10 =	sld [smem:$0x3FAF];
	_ =	sdelay $0x3  }
0x37: {  	[smem:$0x3FAF] =	sst s10  }
0x38: {  	s10 =	sld [smem:$0x3FB0]  }
0x39: {  	_ = 	snop;
	(pc) =	sbr.ind lr, $3  }
0x3a: {  	_ = 	snop  }
0x3b: {  	_ = 	snop  }
0x3c: {  	p2 =	seq.s32 s10, $0x1;
	s10 =	sld [smem:$0x3FAF]  }
0x3d: {  	_ =	shalt  }
0x3e: {  	_ =	shalt  }
0x3f: {  	_ =	shalt  }
0x40: {  	_ =	shalt  }
0x41: {  	_ =	shalt  }
0x42: {  	_ =	shalt  }
0x43: {  	_ =	shalt  }
0x44: {  	_ =	shalt  }
0x45: {  	_ =	shalt  }
0x46: {  	_ =	shalt  }
0x47: {  	_ =	shalt  }
0x48: {  	_ =	shalt  }
0x49: {  	_ =	shalt  }
0x4a: {  	_ =	shalt  }
0x4b: {  	_ =	shalt  }
0x4c: {  	_ =	shalt  }
0x4d: {  	_ =	shalt  }
0x4e: {  	_ =	shalt  }
0x4f: {  	_ =	shalt  }
0x50: {  	_ =	shalt  }
0x51: {  	_ =	shalt  }
0x52: {  	_ =	shalt  }
0x53: {  	_ =	shalt  }
0x54: {  	_ =	shalt  }
0x55: {  	_ =	shalt  }
0x56: {  	_ =	shalt  }
0x57: {  	_ =	shalt  }
0x58: {  	_ =	shalt  }
0x59: {  	_ =	shalt  }
0x5a: {  	_ =	shalt  }
0x5b: {  	_ =	shalt  }
0x5c: {  	_ =	shalt  }
0x5d: {  	_ =	shalt  }
0x5e: {  	_ =	shalt  }
0x5f: {  	_ =	shalt  }
0x60: {  	_ =	shalt  }
0x61: {  	_ =	shalt  }
0x62: {  	_ =	shalt  }
0x63: {  	_ =	shalt  }
0x64: {  	_ =	shalt  }
0x65: {  	_ =	shalt  }
0x66: {  	_ =	shalt  }
0x67: {  	_ =	shalt  }
0x68: {  	_ =	shalt  }
0x69: {  	_ =	shalt  }
0x6a: {  	_ =	shalt  }
0x6b: {  	_ =	shalt  }
0x6c: {  	_ =	shalt  }
0x6d: {  	_ =	shalt  }
0x6e: {  	_ =	shalt  }
0x6f: {  	_ =	shalt  }
0x70: {  	_ =	shalt  }
0x71: {  	_ =	shalt  }
0x72: {  	_ =	shalt  }
0x73: {  	_ =	shalt  }
0x74: {  	_ =	shalt  }
0x75: {  	_ =	shalt  }
0x76: {  	_ =	shalt  }
0x77: {  	_ =	shalt  }
0x78: {  	_ =	shalt  }
0x79: {  	_ =	shalt  }
0x7a: {  	_ =	shalt  }
0x7b: {  	_ =	shalt  }
0x7c: {  	_ =	shalt  }
0x7d: {  	_ =	shalt  }
0x7e: {  	_ =	shalt  }
0x7f: {  	_ =	shalt  }
0x80: {  	_ =	shalt  }
0x81: {  	_ =	shalt  }
0x82: {  	_ =	shalt  }
0x83: {  	_ =	shalt  }
0x84: {  	_ =	shalt  }
0x85: {  	_ =	shalt  }
0x86: {  	_ =	shalt  }
0x87: {  	_ =	shalt  }
.Lfunc_end0:
.L_simem_size_0:
called_computation.1_lowered:
.L_overlay_start_0:
0x88: {  	s2 =	sld [smem:$0x3FD9]  }
0x89: {  	s3 =	sld [smem:$0x3FFE];
	_ =	sdelay $0x1  }
0x8a: {  	s1 =	srdreg.scid  }
0x8b: {  	s0 =	sand.u32 $0x1, s1  }
0x8c: {  	s16 =	sshll.u32 s0, $0xA;
	s2 =	sadd.s32 s3, s2  }
0x8d: {  	s2 =	sadd.s32 s2, s16  }
0x8e: {  	[smem:$0x3FBB] =	sst s2  }
0x8f: {  	_ = 	snop  }
0x90: {  	(tm) =	ssettm $0x1  }
0x91: {  	s17 =	sld [smem:$0x3FFB];
	_ =	sdelay $0x3  }
0x92: {  	_ =	strace s17  }
0x93: {  	s2 =	sld [smem:$0x3FFC];
	_ =	sdelay $0x3  }
0x94: {  	_ =	strace s2  }
0x95: {  	s2 =	sld [smem:$0x3FFD];
	_ =	sdelay $0x3  }
0x96: {  	_ =	strace s2  }
0x97: {  	_ =	strace $0x8FFFFFFF  }
0x98: {  	s18 =	sld [smem:$0x3FDB];
	_ =	sdelay $0x1  }
0x99: {  	s19 =	simm.s32 $_scs_section_size  }
0x9a: {  	s4 =	simm.s32 $_size__tile_overlayer_lowered;
	s5 =	simm.s32 $_tile_overlayer_lowered  }
0x9b: {  	s22 =	simm.s32 $0x1BFF;
	s21 =	sshll.u32 s5, $0x1;
	s2 =	sadd.s32 s19, s18  }
0x9c: {  	s6 =	simm.s32 $0x0;
	s20 =	sshll.u32 s4, $0x1;
	s4 =	sadd.s32 s21, s2  }
0x9d: {  	[timem:s6], [sflag:s22] =	dma.local [hbm:s4], s20  }
0x9e: {  	_ =	swait.ge [sflag:s22], s20  }
0x9f: {  	s3 =	ssub.s32 $0x0, s20;
	[sflag:s22] =	ssyncset.done $0x0  }
0xa0: {  	[sflag:s22] =	ssyncadd.s32 s3;
	_ =	sdelay $0x1  }
0xa1: {  	s23 =	simm.s32 $0x1B8B  }
0xa2: {  	_ =	swait.ge [sflag:s23], $0x1  }
0xa3: {  	[sflag:s23] =	ssyncset.done $0x0  }
0xa4: {  	s25 =	simm.s32 $0x1B8E;
	s24 =	sld [smem:$0x3FFE];
	[sflag:s23] =	ssyncadd.s32 $0xFFFFFFFF  }
0xa5: {  	s26 =	simm.s32 $execute0_lowered;
	[smem:$0x3FD2] =	sst s25  }
0xa6: {  	s4 =	sshll.u32 s26, $0x1;
	_ =	strace $0x80000049;
	[dreg:$0x1] =	wrdreg $0xFFFFFFFF  }
0xa7: {  	s28 =	simm.s32 $_size_execute0_lowered;
	s2 =	sadd.s32 s2, s4;
	[dreg:$0x0] =	wrdreg $0x0  }
0xa8: {  	s4 =	sshll.u32 s28, $0x1;
	[dreg:$0x2] =	wrdreg s2  }
0xa9: {  	[dreg:$0x3] =	wrdreg s4  }
0xaa: {  	[dreg:$0x4] =	wrdreg $0xC0  }
0xab: {  	_ =	task [dreg:s6], $0x5FFFF  }
0xac: {  	[dreg:$0x1] =	wrdreg $0xFFFFFFFF  }
0xad: {  	[dreg:$0x0] =	wrdreg $0x60  }
0xae: {  	[dreg:$0x2] =	wrdreg s24  }
0xaf: {  	[dreg:$0x3] =	wrdreg $0x2F900  }
0xb0: {  	[dreg:$0x4] =	wrdreg $0x9  }
0xb1: {  	_ =	task.clear_ibuf [dreg:s6], $0x5FFFF;
	_ =	strace $0x90000049  }
0xb2: {  	s29 =	simm.s32 $0x9;
	_ =	strace $0x8000004B  }
0xb3: {  	_ =	swait.ge [sflag:s29], $0x1  }
0xb4: {  	[sflag:s29] =	ssyncadd.s32 $0xFFFFFFFF  }
0xb5: {  	_ =	strace $0x9000004B  }
0xb6: {  	_ =	sfence  }
0xb7: {  	s30 =	sld [smem:$0x0];
	_ =	sdelay $0x2  }
0xb8: {  	s31 =	sshll.u32 s1, $0xD;
	s1 =	sshrl.u32 s1, $0x2  }
0xb9: {  	s3 =	sand.u32 $0x4000, s31;
	s1 =	sadd.s32 s1, s30  }
0xba: {  	s0 =	sor.u32 s3, s0;
	s1 =	sshll.u32 s1, $0x11  }
0xbb: {  	s0 =	sor.u32 s1, s0  }
0xbc: {  	s0 =	sadd.s32 $0x8F2B, s0  }
0xbd: {  	[sflag:s0] =	ssyncadd.remote.s32 $0x1  }
0xbe: {  	_ =	sfence.sel $0xFFFF  }
0xbf: {  	[dreg:$0x0] =	wrdreg $0xFFFFFFFF;
	(pc) =	sbr.abs _section_cstart, $3  }
0xc0: {  	[dreg:$0x1] =	wrdreg $0xFFFFFFFF  }
0xc1: {  	_ =	task.clear_ibuf [dreg:s6], $0x2FFFF;
	_ =	strace $0x9FFFFFFF  }
0xc2: {  	(tm) =	ssettm $0x7FFFFFFF  }
0xc3: {  	_ =	shalt  }
tec
execute0_lowered:
.L_overlay_start_1:
0x0: {  	(tag) =	ssettag $0x1  }
0x1: {  	s4 =	rddreg [dreg:$0x0];
	s1 =	srdreg.scid  }
0x2: {  	s2 =	rddreg [dreg:$0x1];
	s5 =	sand.u32 $0x1, s1  }
0x3: {  	s0 =	rddreg [dreg:$0x2];
	s3 =	simm.s32 $0x0;
	s6 =	smul.u32 $0x271000, s5  }
0x4: {  	s11 =	simm.s32 $0x0;
	s1 =	stileid.u32;
	s8 =	smul.u32 $0x27100, s5  }
0x5: {  	[smem:$0x7FF] =	sst s3;
	s7 =	sshll.u32 s1, $0xB;
	s25 =	smul.u32 $0x2710, s1  }
0x6: {  	_ =	strace $0x8000004A;
	s9 =	sshll.u32 s1, $0x7;
	s5 =	ssub.s32 $0x2, s5  }
0x7: {  	s30 =	sshrl.u32 s5, $0x1;
	s6 =	sadd.s32 s7, s6;
	s26 =	sadd.s32 s9, s8  }
0x8: {  	s8 =	sadd.s32 s25, s8;
	s31 =	ssub.s32 s5, s30;
	s6 =	sshrl.u32 s6, $0x3  }
0x9: {  	s8 =	sshrl.u32 s8, $0x3;
	s10 =	sadd.s32 s6, s4;
	s6 =	sshrl.u32 s26, $0x3  }
0xa: {  	s9 =	simm.s32 $0x880;
	s29 =	sadd.s32 s8, s4;
	s28 =	sadd.s32 s6, s4  }
0xb: {  	s4 =	sadd.s32 s25, s2;
	s5 =	sadd.s32 $0x2E00, s29;
	s6 =	smax.u32 s31, $0x1  }
0xc: {  	v0 =	vimm.f32 $0.0e+00;
	s8 =	sadd.s32 $0xB3000, s10;
	s10 =	simm.s32 $0x2;
	s7 =	sadd.s32 $0xA9200, s28  }
.LBB2_1:
0xd: {  	s12 =	simm.s32 $0x40;
	s13 =	simm.s32 $0x0  }
.LBB2_2:
0xe: {  	p0 =	sne.s32 s12, $0x9C00;
	[tilespmem:s13+$0x880] =	vst v0;
	s13 =	smov.u32 s12;
	s12 =	sadd.s32 $0x40, s12  }
.Ltmp0:
0xf: {  	(pc) =	sbr.rel @p0 .LBB2_2-.Ltmp0, $2  }
0x10: {  	_ =	sdelay $0x2  }
0x11: {  	s13 =	sshra.s32 s13, $0x2  }
0x12: {  	[tilespmem:s13+$0x880] =	vst v0  }
0x13: {  	[spmem:s4] =	stream.linear.scatter [tilespmem:s9], [sflag:$0x2], $0x2710, $0x38;
	[tilespmem:$0x56A0] =	vst v63  }
0x14: {  	_ =	swait.ge [sflag:s10], $0x2710  }
0x15: {  	s12 =	sadd.s32 $0x0, s1;
	[sflag:s10] =	ssyncset.done $0x0  }
0x16: {  	p0 =	sgt.u32 s12, $0x4E1;
	[sflag:s10] =	ssyncadd.s32 $0xFFFFD8F0  }
0x17: {  	s13 =	simm.s32 @!p0 $0x0;
	s14 =	simm.s32 @!p0 $0x800;
	[bflag:$0x0] =	sbarrier.arrive $0xFFFF  }
0x18: {  	[tilespmem:s14], [sflag:$0x1] =	stream.linear.gather @!p0 [hbm4b:s7+s13], $0x80, $0x38;
	[tilespmem:$0x56A0] =	vst v63  }
0x19: {  	s15 =	simm.s32 @!p0 $0x1  }
0x1a: {  	[tilespmem:s13], [sflag:$0x1] =	stream.linear.gather @!p0 [hbm4b:s8+s13], $0x800, $0x38;
	[tilespmem:$0x56A0] =	vst v63  }
0x1b: {  	_ =	swait.ge @!p0 [sflag:s15], $0x80;
	p0 =	por p0, p0  }
0x1c: {  	[sflag:s15] =	ssyncset.done @!p0 $0x0  }
0x1d: {  	[sflag:s15] =	ssyncadd.s32 @!p0 $0xFFFFFF80  }
0x1e: {  	_ =	swait.ge @!p0 [sflag:s15], $0x800  }
0x1f: {  	s31 =	sadd.s32 $0x10, s1;
	[sflag:s15] =	ssyncset.done @!p0 $0x0  }
0x20: {  	s16 =	simm.s32 @!p0 $0x80;
	[sflag:s15] =	ssyncadd.s32 @!p0 $0xFFFFF800;
	s15 =	simm.s32 @!p0 $0x2  }
0x21: {  	[spmem:s2] =	stream.indirect.scatter.add.f32 @!p0 [tilespmem:s13], [sflag:$0x2], $0x10, s14, s16, $0xb8;
	[tilespmem:$0x56A0] =	vst v63  }
0x22: {  	s12 =	simm.s32 $0x20;
	p1 =	sgt.u32 s31, $0x4E1;
	_ =	swait.ge @!p0 [sflag:s15], $0x800  }
0x23: {  	s13 =	sadd.s32 $0x1000, s8;
	s14 =	sadd.s32 $0x100, s7;
	[sflag:s15] =	ssyncset.done @!p0 $0x0  }
.LBB2_4:
0x24: {  	s16 =	simm.s32 @!p1 $0x0;
	s17 =	simm.s32 @!p1 $0x800;
	[sflag:s15] =	ssyncadd.s32 @!p0 $0xFFFFF800  }
0x25: {  	[tilespmem:s17], [sflag:$0x1] =	stream.linear.gather @!p1 [hbm4b:s14+s16], $0x80, $0x38;
	[tilespmem:$0x56A0] =	vst v63  }
0x26: {  	s15 =	simm.s32 @!p1 $0x1;
	s18 =	smov.u32 s12;
	s12 =	sadd.s32 $0x10, s12  }
0x27: {  	[tilespmem:s16], [sflag:$0x1] =	stream.linear.gather @!p1 [hbm4b:s13+s16], $0x800, $0x38;
	[tilespmem:$0x56A0] =	vst v63  }
0x28: {  	p0 =	por p1, p1;
	p2 =	sne.s32 s12, $0x4F0;
	_ =	swait.ge @!p1 [sflag:s15], $0x80  }
0x29: {  	[sflag:s15] =	ssyncset.done @!p0 $0x0  }
0x2a: {  	[sflag:s15] =	ssyncadd.s32 @!p0 $0xFFFFFF80  }
0x2b: {  	_ =	swait.ge @!p0 [sflag:s15], $0x800  }
.Ltmp1:
0x2c: {  	[sflag:s15] =	ssyncset.done @!p0 $0x0;
	(pc) =	sbr.rel @p2 .LBB2_4-.Ltmp1, $4  }
0x2d: {  	s19 =	simm.s32 @!p0 $0x80;
	[sflag:s15] =	ssyncadd.s32 @!p0 $0xFFFFF800;
	s15 =	simm.s32 @!p0 $0x2  }
0x2e: {  	[spmem:s2] =	stream.indirect.scatter.add.f32 @!p0 [tilespmem:s16], [sflag:$0x2], $0x10, s17, s19, $0xb8;
	[tilespmem:$0x56A0] =	vst v63  }
0x2f: {  	s13 =	sadd.s32 $0x1000, s13;
	s16 =	sadd.s32 s18, s1;
	_ =	swait.ge @!p0 [sflag:s15], $0x800  }
0x30: {  	s14 =	sadd.s32 $0x100, s14;
	p1 =	sgt.u32 s16, $0x4E1;
	[sflag:s15] =	ssyncset.done @!p0 $0x0  }
0x31: {  	s12 =	simm.s32 @!p1 $0x0;
	s16 =	simm.s32 @!p1 $0x800;
	[sflag:s15] =	ssyncadd.s32 @!p0 $0xFFFFF800  }
0x32: {  	[tilespmem:s16], [sflag:$0x1] =	stream.linear.gather @!p1 [hbm4b:s14+s12], $0x80, $0x38;
	[tilespmem:$0x56A0] =	vst v63  }
0x33: {  	s14 =	simm.s32 @!p1 $0x1  }
0x34: {  	[tilespmem:s12], [sflag:$0x1] =	stream.linear.gather @!p1 [hbm4b:s13+s12], $0x800, $0x38;
	[tilespmem:$0x56A0] =	vst v63  }
0x35: {  	p0 =	por p1, p1;
	_ =	swait.ge @!p1 [sflag:s14], $0x80  }
0x36: {  	[sflag:s14] =	ssyncset.done @!p0 $0x0  }
0x37: {  	[sflag:s14] =	ssyncadd.s32 @!p0 $0xFFFFFF80  }
0x38: {  	_ =	swait.ge @!p0 [sflag:s14], $0x800  }
0x39: {  	[sflag:s14] =	ssyncset.done @!p0 $0x0  }
0x3a: {  	s13 =	simm.s32 @!p0 $0x80;
	[sflag:s14] =	ssyncadd.s32 @!p0 $0xFFFFF800;
	s14 =	simm.s32 @!p0 $0x2  }
0x3b: {  	[spmem:s2] =	stream.indirect.scatter.add.f32 @!p0 [tilespmem:s12], [sflag:$0x2], $0x10, s16, s13, $0xb8;
	[tilespmem:$0x56A0] =	vst v63  }
0x3c: {  	_ =	swait.ge @!p0 [sflag:s14], $0x800  }
0x3d: {  	[sflag:s14] =	ssyncset.done @!p0 $0x0  }
0x3e: {  	[sflag:s14] =	ssyncadd.s32 @!p0 $0xFFFFF800  }
0x3f: {  	[bflag:$0x0] =	sbarrier.arrive $0xFFFF  }
0x40: {  	[tilespmem:s9], [sflag:$0x2] =	stream.linear.gather [spmem:s4], $0x2710, $0x38;
	[tilespmem:$0x56A0] =	vst v63  }
0x41: {  	s11 =	sadd.s32 $0x1, s11;
	_ =	swait.ge [sflag:s10], $0x2710  }
0x42: {  	p0 =	sne.s32 s11, s6;
	[sflag:s10] =	ssyncset.done $0x0  }
.Ltmp2:
0x43: {  	[sflag:s10] =	ssyncadd.s32 $0xFFFFD8F0;
	(pc) =	sbr.rel @p0 .LBB2_1-.Ltmp2, $4  }
0x44: {  	[hbm4b:s5+s3] =	stream.linear.scatter [tilespmem:s9], [sflag:$0x2], $0x2710, $0x38;
	[tilespmem:$0x56A0] =	vst v63  }
0x45: {  	_ =	swait.ge [sflag:s10], $0x2710  }
0x46: {  	[sflag:s10] =	ssyncset.done $0x0  }
0x47: {  	[sflag:s10] =	ssyncadd.s32 $0xFFFFD8F0  }
0x48: {  	_ =	sfence.sel $0x180000  }
0x49: {  	[bflag:$0x0] =	sbarrier.arrive $0xFFFF  }
0x4a: {  	p0 =	sne.s32 s1, $0x0;
	_ =	strace $0x9000004A  }
0x4b: {  	s0 =	sadd.s32 @!p0 $0x100000, s0;
	[bflag:$0x2] =	sbarrier.arrive $0xFFFF  }
0x4c: {  	[sflag:s0] =	ssyncadd.tile.s32 @!p0 $0x1;
	_ =	shalt  }
.Lfunc_end2:
_tile_overlayer_lowered:
.L_overlay_start_2:
0x4d: {  	(tag) =	ssettag $0x2  }
0x4e: {  	s0 =	rddreg [dreg:$0x0];
	s2 =	stileid.u32  }
0x4f: {  	s1 =	rddreg [dreg:$0x1];
	p0 =	sne.s32 s2, $0x0  }
0x50: {  	s3 =	rddreg [dreg:$0x2];
	[bflag:$0x3] =	sbarrier.arrive $0xFFFF;
	s2 =	simm.s32 @!p0 $0x1C02  }
0x51: {  	[timem:s3], [sflag:s2] =	dma.local @!p0 [hbm:s0], s1  }
0x52: {  	s0 =	simm.s32 @!p0 $0x2  }
0x53: {  	_ =	swait.ge @!p0 [sflag:s0], s1  }
0x54: {  	s1 =	ssub.s32 @!p0 $0x0, s1;
	[sflag:s0] =	ssyncset.done @!p0 $0x0  }
0x55: {  	[sflag:s0] =	ssyncadd.s32 @!p0 s1  }
0x56: {  	[bflag:$0x3] =	sbarrier.arrive $0xFFFF  }
0x57: {  	_ =	shalt  }

</sc_bundles>
